<compile_context>
chip_gen: v7x
topology: tpu7x:2x2x1
jax: 0.10.2.dev20260603
libtpu: 0.0.44.dev20260713+nightly
codegen_flags: <defaults>
</compile_context>

<pallas_src>
import functools

import jax
import jax.numpy as jnp
from jax import lax
from jax.experimental import pallas as pl
from jax.experimental.pallas import tpu as pltpu
from jax.experimental.pallas import tpu_sc as plsc

N_DATASETS = 3
NUM_USERS = 100000
DIM = 64
BATCH = 16384

NUM_CORES = 2
NUM_SUBCORES = 16
NUM_WORKERS = NUM_CORES * NUM_SUBCORES
N_COLS = N_DATASETS * DIM
COLS_PER_W = N_COLS // NUM_WORKERS
LANES = 16
HALF = BATCH // 2


def _sc_gather(table_t, idx_flat):
  mesh = plsc.VectorSubcoreMesh(core_axis_name="c", subcore_axis_name="s")

  @functools.partial(
      pl.kernel,
      out_type=jax.ShapeDtypeStruct((N_COLS, BATCH), jnp.float32),
      mesh=mesh,
      scratch_types=[
          pltpu.VMEM((BATCH,), jnp.int32),
          pltpu.VMEM((NUM_USERS,), jnp.float32),
          pltpu.VMEM((HALF,), jnp.float32),
      ],
      compiler_params=pltpu.CompilerParams(
          use_tc_tiling_on_sc=True, needs_layout_passes=False),
  )
  def k(tab_hbm, idx_hbm, out_hbm, idx_v, row_v, out_v):
    wid = lax.axis_index("s") * NUM_CORES + lax.axis_index("c")
    pltpu.sync_copy(idx_hbm, idx_v)


    for j in range(COLS_PER_W):
      col = wid * COLS_PER_W + j
      d = col // DIM
      f = col - d * DIM
      pltpu.sync_copy(tab_hbm.at[d, f], row_v)

      for half in range(2):
        @plsc.parallel_loop(0, HALF // LANES, unroll=8)
        def body(v):
          u16 = idx_v[pl.ds(half * HALF + v * LANES, LANES)]
          out_v[pl.ds(v * LANES, LANES)] = plsc.load_gather(row_v, [u16])
        pltpu.sync_copy(out_v, out_hbm.at[col, pl.ds(half * HALF, HALF)])

  return k(table_t, idx_flat)


def kernel(user_embeds_list, userIdx):
  table_t = jnp.transpose(user_embeds_list, (0, 2, 1))
  idx_flat = userIdx.astype(jnp.int32)
  out_t = _sc_gather(table_t, idx_flat)
  return jnp.transpose(out_t)

# --- scband reference (transcript-rebuilt; emitter-appended) ---
"""Pipeline reference for scband-user-aggregator-75204877353149 (READ-ONLY COPY).

The authoritative reference and input builder live on the scoring server;
editing this copy changes nothing except your own understanding.
"""

import jax, jax.numpy as jnp
import numpy as np

N_DATASETS = 3
NUM_USERS = 100000
DIM = 64
BATCH = 16384


def setup_inputs(seed: int = 0) -> dict:
    key = jax.random.key(seed)
    k1, k2 = jax.random.split(key)
    user_embeds_list = jax.random.normal(k1, (N_DATASETS, NUM_USERS, DIM), dtype=jnp.float32)
    userIdx = jax.random.randint(k2, (BATCH,), 0, NUM_USERS, dtype=jnp.int64 if jax.config.jax_enable_x64 else jnp.int32)
    return {"user_embeds_list": user_embeds_list, "userIdx": userIdx}


def reference(user_embeds_list, userIdx):
    # embeds = t.as_tensor(user_embeds_list) -> already an array here
    # cat_embedding(embeds, datasets, userIdx, 'user', args):
    #   gather each dataset's user embedding table at userIdx and concatenate
    #   along the feature dimension -> [B, n_datasets * dim]
    gathered = jnp.take(user_embeds_list, userIdx, axis=1)  # [D, B, dim]
    agg_embeds = jnp.transpose(gathered, (1, 0, 2)).reshape(userIdx.shape[0], -1)  # [B, D*dim]
    return agg_embeds

if __name__ == "__main__":
    import jax
    _d = setup_inputs()
    print(jax.jit(kernel)(*tuple(_d.values())))

</pallas_src>

<mosaic_0001>
#map = affine_map<(d0, d1) -> (0, 0, 0)>
#map1 = affine_map<(d0, d1) -> (0)>
#map2 = affine_map<(d0, d1) -> (0, 0)>
module attributes {stable_mosaic.version = 14 : i64} {
  func.func @k(%arg0: i32, %arg1: i32, %arg2: memref<3x64x100000xf32, #tpu.memory_space<hbm>>, %arg3: memref<16384xi32, #tpu.memory_space<hbm>>, %arg4: memref<192x16384xf32, #tpu.memory_space<hbm>>, %arg5: memref<16384xi32, #tpu.memory_space<vmem>>, %arg6: memref<100000xf32, #tpu.memory_space<vmem>>, %arg7: memref<8192xf32, #tpu.memory_space<vmem>>) attributes {dimension_semantics = [#tpu.dimension_semantics<core_parallel>, #tpu.dimension_semantics<subcore_parallel>], iteration_bounds = array<i64: 2, 16>, scalar_prefetch = 0 : i64, scratch_operands = 3 : i64, tpu.core_type = #tpu.core_type<sc_vector_subcore>, window_params = [{transform_indices = #map}, {transform_indices = #map1}, {transform_indices = #map2}]} {
    %mul3A = arith.constant 2 : i32
    %mul3A_0 = arith.muli %arg1, %mul3A : i32
    %add3A = arith.addi %mul3A_0, %arg0 : i32
    "tpu.region"() ({
      %run_scoped3A = tpu.sem_alloc : memref<!tpu.dma_semaphore, #tpu.memory_space<semaphore_mem>>
      tpu.enqueue_dma source(%arg3 : memref<16384xi32, #tpu.memory_space<hbm>>) target(%arg5 : memref<16384xi32, #tpu.memory_space<vmem>>) target_semaphore(%run_scoped3A : memref<!tpu.dma_semaphore, #tpu.memory_space<semaphore_mem>>)
      tpu.wait_dma2 semaphore(%run_scoped3A : memref<!tpu.dma_semaphore, #tpu.memory_space<semaphore_mem>>) src(%arg3 : memref<16384xi32, #tpu.memory_space<hbm>>) dst(%arg5 : memref<16384xi32, #tpu.memory_space<vmem>>)
      tpu.yield
    }) : () -> ()
    %mul3A_1 = arith.constant 6 : i32
    %mul3A_2 = arith.muli %add3A, %mul3A_1 : i32
    %add3A_3 = arith.constant 0 : i32
    %add3A_4 = arith.addi %mul3A_2, %add3A_3 : i32
    %jit3A = arith.constant 64 : i32
    %div3A = arith.divsi %add3A_4, %jit3A : i32
    %sign3A = arith.constant 0 : i32
    %sign3A_5 = arith.cmpi sgt, %add3A_4, %sign3A : i32
    %sign3A_6 = arith.extui %sign3A_5 : i1 to i32
    %sign3A_7 = arith.constant 0 : i32
    %sign3A_8 = arith.cmpi slt, %add3A_4, %sign3A_7 : i32
    %sign3A_9 = arith.extui %sign3A_8 : i1 to i32
    %sign3A_10 = arith.subi %sign3A_6, %sign3A_9 : i32
    %sign3A_11 = arith.constant 0 : i32
    %sign3A_12 = arith.cmpi sgt, %jit3A, %sign3A_11 : i32
    %sign3A_13 = arith.extui %sign3A_12 : i1 to i32
    %sign3A_14 = arith.constant 0 : i32
    %sign3A_15 = arith.cmpi slt, %jit3A, %sign3A_14 : i32
    %sign3A_16 = arith.extui %sign3A_15 : i1 to i32
    %sign3A_17 = arith.subi %sign3A_13, %sign3A_16 : i32
    %ne3A = arith.cmpi ne, %sign3A_10, %sign3A_17 : i32
    %rem3A = arith.remsi %add3A_4, %jit3A : i32
    %ne3A_18 = arith.constant 0 : i32
    %ne3A_19 = arith.cmpi ne, %rem3A, %ne3A_18 : i32
    %and3A = arith.andi %ne3A, %ne3A_19 : i1
    %sub3A = arith.constant 1 : i32
    %sub3A_20 = arith.subi %div3A, %sub3A : i32
    %select_n3A = arith.select %and3A, %sub3A_20, %div3A : i32
    %mul3A_21 = arith.constant 64 : i32
    %mul3A_22 = arith.muli %select_n3A, %mul3A_21 : i32
    %sub3A_23 = arith.subi %add3A_4, %mul3A_22 : i32
    "tpu.region"() ({
      %run_scoped3A = tpu.sem_alloc : memref<!tpu.dma_semaphore, #tpu.memory_space<semaphore_mem>>
      %dma_start3A = arith.constant 0 : i32
      %dma_start3A_214 = tpu.memref_slice %arg2[%select_n3A, %sub3A_23, %dma_start3A] : memref<3x64x100000xf32, #tpu.memory_space<hbm>> -> memref<1x1x100000xf32, #tpu.memory_space<hbm>>
      %dma_start3A_215 = tpu.memref_squeeze %dma_start3A_214 : memref<1x1x100000xf32, #tpu.memory_space<hbm>> -> memref<100000xf32, #tpu.memory_space<hbm>>
      %dma_start3A_216 = arith.constant 0 : i32
      %dma_start3A_217 = tpu.memref_slice %arg2[%select_n3A, %sub3A_23, %dma_start3A_216] : memref<3x64x100000xf32, #tpu.memory_space<hbm>> -> memref<1x1x100000xf32, #tpu.memory_space<hbm>>
      %dma_start3A_218 = tpu.memref_squeeze %dma_start3A_217 : memref<1x1x100000xf32, #tpu.memory_space<hbm>> -> memref<100000xf32, #tpu.memory_space<hbm>>
      tpu.enqueue_dma source(%dma_start3A_218 : memref<100000xf32, #tpu.memory_space<hbm>>) target(%arg6 : memref<100000xf32, #tpu.memory_space<vmem>>) target_semaphore(%run_scoped3A : memref<!tpu.dma_semaphore, #tpu.memory_space<semaphore_mem>>)
      %dma_wait3A = arith.constant 0 : i32
      %dma_wait3A_219 = tpu.memref_slice %arg2[%select_n3A, %sub3A_23, %dma_wait3A] : memref<3x64x100000xf32, #tpu.memory_space<hbm>> -> memref<1x1x100000xf32, #tpu.memory_space<hbm>>
      %dma_wait3A_220 = tpu.memref_squeeze %dma_wait3A_219 : memref<1x1x100000xf32, #tpu.memory_space<hbm>> -> memref<100000xf32, #tpu.memory_space<hbm>>
      %dma_wait3A_221 = arith.constant 0 : i32
      %dma_wait3A_222 = tpu.memref_slice %arg2[%select_n3A, %sub3A_23, %dma_wait3A_221] : memref<3x64x100000xf32, #tpu.memory_space<hbm>> -> memref<1x1x100000xf32, #tpu.memory_space<hbm>>
      %dma_wait3A_223 = tpu.memref_squeeze %dma_wait3A_222 : memref<1x1x100000xf32, #tpu.memory_space<hbm>> -> memref<100000xf32, #tpu.memory_space<hbm>>
      tpu.wait_dma2 semaphore(%run_scoped3A : memref<!tpu.dma_semaphore, #tpu.memory_space<semaphore_mem>>) src(%dma_wait3A_223 : memref<100000xf32, #tpu.memory_space<hbm>>) dst(%arg6 : memref<100000xf32, #tpu.memory_space<vmem>>)
      tpu.yield
    }) : () -> ()
    %parallel_loop3A = arith.constant 0 : i32
    %parallel_loop3A_24 = arith.constant 512 : i32
    %parallel_loop3A_25 = arith.constant 1 : i32
    scf.for %parallel_loop3A_214 = %parallel_loop3A to %parallel_loop3A_24 step %parallel_loop3A_25  : i32 {
      %parallel_loop3A_215 = arith.constant 16 : i32
      %parallel_loop3A_216 = arith.muli %parallel_loop3A_214, %parallel_loop3A_215 : i32
      %parallel_loop3A_217 = arith.constant 0 : i32
      %parallel_loop3A_218 = arith.addi %parallel_loop3A_217, %parallel_loop3A_216 : i32
      %parallel_loop3A_219 = arith.index_cast %parallel_loop3A_218 : i32 to index
      %parallel_loop3A_220 = tpu.vector_load %arg5[%parallel_loop3A_219] {strides = array<i32>} : memref<16384xi32, #tpu.memory_space<vmem>>, vector<16xi32>,
      %parallel_loop3A_221 = tpu.vector_load_idx %arg6[%parallel_loop3A_220] : memref<100000xf32, #tpu.memory_space<vmem>>[vector<16xi32>], vector<16xf32>,
      %parallel_loop3A_222 = arith.constant 16 : i32
      %parallel_loop3A_223 = arith.muli %parallel_loop3A_214, %parallel_loop3A_222 : i32
      %parallel_loop3A_224 = arith.index_cast %parallel_loop3A_223 : i32 to index
      %parallel_loop3A_225 = tpu.vector_load %arg7[%parallel_loop3A_224] {strides = array<i32>} : memref<8192xf32, #tpu.memory_space<vmem>>, vector<16xf32>,
      tpu.vector_store %arg7[%parallel_loop3A_224], %parallel_loop3A_221 {strides = array<i32>} : memref<8192xf32, #tpu.memory_space<vmem>>, vector<16xf32>,
    } {sc.loop_unroll_factor = 8 : i64, sc.parallel_access}
    "tpu.region"() ({
      %run_scoped3A = tpu.sem_alloc : memref<!tpu.dma_semaphore, #tpu.memory_space<semaphore_mem>>
      %dma_start3A = arith.constant 0 : i32
      %dma_start3A_214 = tpu.memref_slice %arg4[%add3A_4, %dma_start3A] : memref<192x16384xf32, #tpu.memory_space<hbm>> -> memref<1x8192xf32, #tpu.memory_space<hbm>>
      %dma_start3A_215 = tpu.memref_squeeze %dma_start3A_214 : memref<1x8192xf32, #tpu.memory_space<hbm>> -> memref<8192xf32, #tpu.memory_space<hbm>>
      %dma_start3A_216 = arith.constant 0 : i32
      %dma_start3A_217 = tpu.memref_slice %arg4[%add3A_4, %dma_start3A_216] : memref<192x16384xf32, #tpu.memory_space<hbm>> -> memref<1x8192xf32, #tpu.memory_space<hbm>>
      %dma_start3A_218 = tpu.memref_squeeze %dma_start3A_217 : memref<1x8192xf32, #tpu.memory_space<hbm>> -> memref<8192xf32, #tpu.memory_space<hbm>>
      tpu.enqueue_dma source(%arg7 : memref<8192xf32, #tpu.memory_space<vmem>>) target(%dma_start3A_218 : memref<8192xf32, #tpu.memory_space<hbm>>) target_semaphore(%run_scoped3A : memref<!tpu.dma_semaphore, #tpu.memory_space<semaphore_mem>>)
      %dma_wait3A = arith.constant 0 : i32
      %dma_wait3A_219 = tpu.memref_slice %arg4[%add3A_4, %dma_wait3A] : memref<192x16384xf32, #tpu.memory_space<hbm>> -> memref<1x8192xf32, #tpu.memory_space<hbm>>
      %dma_wait3A_220 = tpu.memref_squeeze %dma_wait3A_219 : memref<1x8192xf32, #tpu.memory_space<hbm>> -> memref<8192xf32, #tpu.memory_space<hbm>>
      %dma_wait3A_221 = arith.constant 0 : i32
      %dma_wait3A_222 = tpu.memref_slice %arg4[%add3A_4, %dma_wait3A_221] : memref<192x16384xf32, #tpu.memory_space<hbm>> -> memref<1x8192xf32, #tpu.memory_space<hbm>>
      %dma_wait3A_223 = tpu.memref_squeeze %dma_wait3A_222 : memref<1x8192xf32, #tpu.memory_space<hbm>> -> memref<8192xf32, #tpu.memory_space<hbm>>
      tpu.wait_dma2 semaphore(%run_scoped3A : memref<!tpu.dma_semaphore, #tpu.memory_space<semaphore_mem>>) src(%arg7 : memref<8192xf32, #tpu.memory_space<vmem>>) dst(%dma_wait3A_223 : memref<8192xf32, #tpu.memory_space<hbm>>)
      tpu.yield
    }) : () -> ()
    %parallel_loop3A_26 = arith.constant 0 : i32
    %parallel_loop3A_27 = arith.constant 512 : i32
    %parallel_loop3A_28 = arith.constant 1 : i32
    scf.for %parallel_loop3A_214 = %parallel_loop3A_26 to %parallel_loop3A_27 step %parallel_loop3A_28  : i32 {
      %parallel_loop3A_215 = arith.constant 16 : i32
      %parallel_loop3A_216 = arith.muli %parallel_loop3A_214, %parallel_loop3A_215 : i32
      %parallel_loop3A_217 = arith.constant 8192 : i32
      %parallel_loop3A_218 = arith.addi %parallel_loop3A_217, %parallel_loop3A_216 : i32
      %parallel_loop3A_219 = arith.index_cast %parallel_loop3A_218 : i32 to index
      %parallel_loop3A_220 = tpu.vector_load %arg5[%parallel_loop3A_219] {strides = array<i32>} : memref<16384xi32, #tpu.memory_space<vmem>>, vector<16xi32>,
      %parallel_loop3A_221 = tpu.vector_load_idx %arg6[%parallel_loop3A_220] : memref<100000xf32, #tpu.memory_space<vmem>>[vector<16xi32>], vector<16xf32>,
      %parallel_loop3A_222 = arith.constant 16 : i32
      %parallel_loop3A_223 = arith.muli %parallel_loop3A_214, %parallel_loop3A_222 : i32
      %parallel_loop3A_224 = arith.index_cast %parallel_loop3A_223 : i32 to index
      %parallel_loop3A_225 = tpu.vector_load %arg7[%parallel_loop3A_224] {strides = array<i32>} : memref<8192xf32, #tpu.memory_space<vmem>>, vector<16xf32>,
      tpu.vector_store %arg7[%parallel_loop3A_224], %parallel_loop3A_221 {strides = array<i32>} : memref<8192xf32, #tpu.memory_space<vmem>>, vector<16xf32>,
    } {sc.loop_unroll_factor = 8 : i64, sc.parallel_access}
    "tpu.region"() ({
      %run_scoped3A = tpu.sem_alloc : memref<!tpu.dma_semaphore, #tpu.memory_space<semaphore_mem>>
      %dma_start3A = arith.constant 8192 : i32
      %dma_start3A_214 = tpu.memref_slice %arg4[%add3A_4, %dma_start3A] : memref<192x16384xf32, #tpu.memory_space<hbm>> -> memref<1x8192xf32, #tpu.memory_space<hbm>>
      %dma_start3A_215 = tpu.memref_squeeze %dma_start3A_214 : memref<1x8192xf32, #tpu.memory_space<hbm>> -> memref<8192xf32, #tpu.memory_space<hbm>>
      %dma_start3A_216 = arith.constant 8192 : i32
      %dma_start3A_217 = tpu.memref_slice %arg4[%add3A_4, %dma_start3A_216] : memref<192x16384xf32, #tpu.memory_space<hbm>> -> memref<1x8192xf32, #tpu.memory_space<hbm>>
      %dma_start3A_218 = tpu.memref_squeeze %dma_start3A_217 : memref<1x8192xf32, #tpu.memory_space<hbm>> -> memref<8192xf32, #tpu.memory_space<hbm>>
      tpu.enqueue_dma source(%arg7 : memref<8192xf32, #tpu.memory_space<vmem>>) target(%dma_start3A_218 : memref<8192xf32, #tpu.memory_space<hbm>>) target_semaphore(%run_scoped3A : memref<!tpu.dma_semaphore, #tpu.memory_space<semaphore_mem>>)
      %dma_wait3A = arith.constant 8192 : i32
      %dma_wait3A_219 = tpu.memref_slice %arg4[%add3A_4, %dma_wait3A] : memref<192x16384xf32, #tpu.memory_space<hbm>> -> memref<1x8192xf32, #tpu.memory_space<hbm>>
      %dma_wait3A_220 = tpu.memref_squeeze %dma_wait3A_219 : memref<1x8192xf32, #tpu.memory_space<hbm>> -> memref<8192xf32, #tpu.memory_space<hbm>>
      %dma_wait3A_221 = arith.constant 8192 : i32
      %dma_wait3A_222 = tpu.memref_slice %arg4[%add3A_4, %dma_wait3A_221] : memref<192x16384xf32, #tpu.memory_space<hbm>> -> memref<1x8192xf32, #tpu.memory_space<hbm>>
      %dma_wait3A_223 = tpu.memref_squeeze %dma_wait3A_222 : memref<1x8192xf32, #tpu.memory_space<hbm>> -> memref<8192xf32, #tpu.memory_space<hbm>>
      tpu.wait_dma2 semaphore(%run_scoped3A : memref<!tpu.dma_semaphore, #tpu.memory_space<semaphore_mem>>) src(%arg7 : memref<8192xf32, #tpu.memory_space<vmem>>) dst(%dma_wait3A_223 : memref<8192xf32, #tpu.memory_space<hbm>>)
      tpu.yield
    }) : () -> ()
    %mul3A_29 = arith.constant 6 : i32
    %mul3A_30 = arith.muli %add3A, %mul3A_29 : i32
    %add3A_31 = arith.constant 1 : i32
    %add3A_32 = arith.addi %mul3A_30, %add3A_31 : i32
    %jit3A_33 = arith.constant 64 : i32
    %div3A_34 = arith.divsi %add3A_32, %jit3A_33 : i32
    %sign3A_35 = arith.constant 0 : i32
    %sign3A_36 = arith.cmpi sgt, %add3A_32, %sign3A_35 : i32
    %sign3A_37 = arith.extui %sign3A_36 : i1 to i32
    %sign3A_38 = arith.constant 0 : i32
    %sign3A_39 = arith.cmpi slt, %add3A_32, %sign3A_38 : i32
    %sign3A_40 = arith.extui %sign3A_39 : i1 to i32
    %sign3A_41 = arith.subi %sign3A_37, %sign3A_40 : i32
    %sign3A_42 = arith.constant 0 : i32
    %sign3A_43 = arith.cmpi sgt, %jit3A_33, %sign3A_42 : i32
    %sign3A_44 = arith.extui %sign3A_43 : i1 to i32
    %sign3A_45 = arith.constant 0 : i32
    %sign3A_46 = arith.cmpi slt, %jit3A_33, %sign3A_45 : i32
    %sign3A_47 = arith.extui %sign3A_46 : i1 to i32
    %sign3A_48 = arith.subi %sign3A_44, %sign3A_47 : i32
    %ne3A_49 = arith.cmpi ne, %sign3A_41, %sign3A_48 : i32
    %rem3A_50 = arith.remsi %add3A_32, %jit3A_33 : i32
    %ne3A_51 = arith.constant 0 : i32
    %ne3A_52 = arith.cmpi ne, %rem3A_50, %ne3A_51 : i32
    %and3A_53 = arith.andi %ne3A_49, %ne3A_52 : i1
    %sub3A_54 = arith.constant 1 : i32
    %sub3A_55 = arith.subi %div3A_34, %sub3A_54 : i32
    %select_n3A_56 = arith.select %and3A_53, %sub3A_55, %div3A_34 : i32
    %mul3A_57 = arith.constant 64 : i32
    %mul3A_58 = arith.muli %select_n3A_56, %mul3A_57 : i32
    %sub3A_59 = arith.subi %add3A_32, %mul3A_58 : i32
    "tpu.region"() ({
      %run_scoped3A = tpu.sem_alloc : memref<!tpu.dma_semaphore, #tpu.memory_space<semaphore_mem>>
      %dma_start3A = arith.constant 0 : i32
      %dma_start3A_214 = tpu.memref_slice %arg2[%select_n3A_56, %sub3A_59, %dma_start3A] : memref<3x64x100000xf32, #tpu.memory_space<hbm>> -> memref<1x1x100000xf32, #tpu.memory_space<hbm>>
      %dma_start3A_215 = tpu.memref_squeeze %dma_start3A_214 : memref<1x1x100000xf32, #tpu.memory_space<hbm>> -> memref<100000xf32, #tpu.memory_space<hbm>>
      %dma_start3A_216 = arith.constant 0 : i32
      %dma_start3A_217 = tpu.memref_slice %arg2[%select_n3A_56, %sub3A_59, %dma_start3A_216] : memref<3x64x100000xf32, #tpu.memory_space<hbm>> -> memref<1x1x100000xf32, #tpu.memory_space<hbm>>
      %dma_start3A_218 = tpu.memref_squeeze %dma_start3A_217 : memref<1x1x100000xf32, #tpu.memory_space<hbm>> -> memref<100000xf32, #tpu.memory_space<hbm>>
      tpu.enqueue_dma source(%dma_start3A_218 : memref<100000xf32, #tpu.memory_space<hbm>>) target(%arg6 : memref<100000xf32, #tpu.memory_space<vmem>>) target_semaphore(%run_scoped3A : memref<!tpu.dma_semaphore, #tpu.memory_space<semaphore_mem>>)
      %dma_wait3A = arith.constant 0 : i32
      %dma_wait3A_219 = tpu.memref_slice %arg2[%select_n3A_56, %sub3A_59, %dma_wait3A] : memref<3x64x100000xf32, #tpu.memory_space<hbm>> -> memref<1x1x100000xf32, #tpu.memory_space<hbm>>
      %dma_wait3A_220 = tpu.memref_squeeze %dma_wait3A_219 : memref<1x1x100000xf32, #tpu.memory_space<hbm>> -> memref<100000xf32, #tpu.memory_space<hbm>>
      %dma_wait3A_221 = arith.constant 0 : i32
      %dma_wait3A_222 = tpu.memref_slice %arg2[%select_n3A_56, %sub3A_59, %dma_wait3A_221] : memref<3x64x100000xf32, #tpu.memory_space<hbm>> -> memref<1x1x100000xf32, #tpu.memory_space<hbm>>
      %dma_wait3A_223 = tpu.memref_squeeze %dma_wait3A_222 : memref<1x1x100000xf32, #tpu.memory_space<hbm>> -> memref<100000xf32, #tpu.memory_space<hbm>>
      tpu.wait_dma2 semaphore(%run_scoped3A : memref<!tpu.dma_semaphore, #tpu.memory_space<semaphore_mem>>) src(%dma_wait3A_223 : memref<100000xf32, #tpu.memory_space<hbm>>) dst(%arg6 : memref<100000xf32, #tpu.memory_space<vmem>>)
      tpu.yield
    }) : () -> ()
    %parallel_loop3A_60 = arith.constant 0 : i32
    %parallel_loop3A_61 = arith.constant 512 : i32
    %parallel_loop3A_62 = arith.constant 1 : i32
    scf.for %parallel_loop3A_214 = %parallel_loop3A_60 to %parallel_loop3A_61 step %parallel_loop3A_62  : i32 {
      %parallel_loop3A_215 = arith.constant 16 : i32
      %parallel_loop3A_216 = arith.muli %parallel_loop3A_214, %parallel_loop3A_215 : i32
      %parallel_loop3A_217 = arith.constant 0 : i32
      %parallel_loop3A_218 = arith.addi %parallel_loop3A_217, %parallel_loop3A_216 : i32
      %parallel_loop3A_219 = arith.index_cast %parallel_loop3A_218 : i32 to index
      %parallel_loop3A_220 = tpu.vector_load %arg5[%parallel_loop3A_219] {strides = array<i32>} : memref<16384xi32, #tpu.memory_space<vmem>>, vector<16xi32>,
      %parallel_loop3A_221 = tpu.vector_load_idx %arg6[%parallel_loop3A_220] : memref<100000xf32, #tpu.memory_space<vmem>>[vector<16xi32>], vector<16xf32>,
      %parallel_loop3A_222 = arith.constant 16 : i32
      %parallel_loop3A_223 = arith.muli %parallel_loop3A_214, %parallel_loop3A_222 : i32
      %parallel_loop3A_224 = arith.index_cast %parallel_loop3A_223 : i32 to index
      %parallel_loop3A_225 = tpu.vector_load %arg7[%parallel_loop3A_224] {strides = array<i32>} : memref<8192xf32, #tpu.memory_space<vmem>>, vector<16xf32>,
      tpu.vector_store %arg7[%parallel_loop3A_224], %parallel_loop3A_221 {strides = array<i32>} : memref<8192xf32, #tpu.memory_space<vmem>>, vector<16xf32>,
    } {sc.loop_unroll_factor = 8 : i64, sc.parallel_access}
    "tpu.region"() ({
      %run_scoped3A = tpu.sem_alloc : memref<!tpu.dma_semaphore, #tpu.memory_space<semaphore_mem>>
      %dma_start3A = arith.constant 0 : i32
      %dma_start3A_214 = tpu.memref_slice %arg4[%add3A_32, %dma_start3A] : memref<192x16384xf32, #tpu.memory_space<hbm>> -> memref<1x8192xf32, #tpu.memory_space<hbm>>
      %dma_start3A_215 = tpu.memref_squeeze %dma_start3A_214 : memref<1x8192xf32, #tpu.memory_space<hbm>> -> memref<8192xf32, #tpu.memory_space<hbm>>
      %dma_start3A_216 = arith.constant 0 : i32
      %dma_start3A_217 = tpu.memref_slice %arg4[%add3A_32, %dma_start3A_216] : memref<192x16384xf32, #tpu.memory_space<hbm>> -> memref<1x8192xf32, #tpu.memory_space<hbm>>
      %dma_start3A_218 = tpu.memref_squeeze %dma_start3A_217 : memref<1x8192xf32, #tpu.memory_space<hbm>> -> memref<8192xf32, #tpu.memory_space<hbm>>
      tpu.enqueue_dma source(%arg7 : memref<8192xf32, #tpu.memory_space<vmem>>) target(%dma_start3A_218 : memref<8192xf32, #tpu.memory_space<hbm>>) target_semaphore(%run_scoped3A : memref<!tpu.dma_semaphore, #tpu.memory_space<semaphore_mem>>)
      %dma_wait3A = arith.constant 0 : i32
      %dma_wait3A_219 = tpu.memref_slice %arg4[%add3A_32, %dma_wait3A] : memref<192x16384xf32, #tpu.memory_space<hbm>> -> memref<1x8192xf32, #tpu.memory_space<hbm>>
      %dma_wait3A_220 = tpu.memref_squeeze %dma_wait3A_219 : memref<1x8192xf32, #tpu.memory_space<hbm>> -> memref<8192xf32, #tpu.memory_space<hbm>>
      %dma_wait3A_221 = arith.constant 0 : i32
      %dma_wait3A_222 = tpu.memref_slice %arg4[%add3A_32, %dma_wait3A_221] : memref<192x16384xf32, #tpu.memory_space<hbm>> -> memref<1x8192xf32, #tpu.memory_space<hbm>>
      %dma_wait3A_223 = tpu.memref_squeeze %dma_wait3A_222 : memref<1x8192xf32, #tpu.memory_space<hbm>> -> memref<8192xf32, #tpu.memory_space<hbm>>
      tpu.wait_dma2 semaphore(%run_scoped3A : memref<!tpu.dma_semaphore, #tpu.memory_space<semaphore_mem>>) src(%arg7 : memref<8192xf32, #tpu.memory_space<vmem>>) dst(%dma_wait3A_223 : memref<8192xf32, #tpu.memory_space<hbm>>)
      tpu.yield
    }) : () -> ()
    %parallel_loop3A_63 = arith.constant 0 : i32
    %parallel_loop3A_64 = arith.constant 512 : i32
    %parallel_loop3A_65 = arith.constant 1 : i32
    scf.for %parallel_loop3A_214 = %parallel_loop3A_63 to %parallel_loop3A_64 step %parallel_loop3A_65  : i32 {
      %parallel_loop3A_215 = arith.constant 16 : i32
      %parallel_loop3A_216 = arith.muli %parallel_loop3A_214, %parallel_loop3A_215 : i32
      %parallel_loop3A_217 = arith.constant 8192 : i32
      %parallel_loop3A_218 = arith.addi %parallel_loop3A_217, %parallel_loop3A_216 : i32
      %parallel_loop3A_219 = arith.index_cast %parallel_loop3A_218 : i32 to index
      %parallel_loop3A_220 = tpu.vector_load %arg5[%parallel_loop3A_219] {strides = array<i32>} : memref<16384xi32, #tpu.memory_space<vmem>>, vector<16xi32>,
      %parallel_loop3A_221 = tpu.vector_load_idx %arg6[%parallel_loop3A_220] : memref<100000xf32, #tpu.memory_space<vmem>>[vector<16xi32>], vector<16xf32>,
      %parallel_loop3A_222 = arith.constant 16 : i32
      %parallel_loop3A_223 = arith.muli %parallel_loop3A_214, %parallel_loop3A_222 : i32
      %parallel_loop3A_224 = arith.index_cast %parallel_loop3A_223 : i32 to index
      %parallel_loop3A_225 = tpu.vector_load %arg7[%parallel_loop3A_224] {strides = array<i32>} : memref<8192xf32, #tpu.memory_space<vmem>>, vector<16xf32>,
      tpu.vector_store %arg7[%parallel_loop3A_224], %parallel_loop3A_221 {strides = array<i32>} : memref<8192xf32, #tpu.memory_space<vmem>>, vector<16xf32>,
    } {sc.loop_unroll_factor = 8 : i64, sc.parallel_access}
    "tpu.region"() ({
      %run_scoped3A = tpu.sem_alloc : memref<!tpu.dma_semaphore, #tpu.memory_space<semaphore_mem>>
      %dma_start3A = arith.constant 8192 : i32
      %dma_start3A_214 = tpu.memref_slice %arg4[%add3A_32, %dma_start3A] : memref<192x16384xf32, #tpu.memory_space<hbm>> -> memref<1x8192xf32, #tpu.memory_space<hbm>>
      %dma_start3A_215 = tpu.memref_squeeze %dma_start3A_214 : memref<1x8192xf32, #tpu.memory_space<hbm>> -> memref<8192xf32, #tpu.memory_space<hbm>>
      %dma_start3A_216 = arith.constant 8192 : i32
      %dma_start3A_217 = tpu.memref_slice %arg4[%add3A_32, %dma_start3A_216] : memref<192x16384xf32, #tpu.memory_space<hbm>> -> memref<1x8192xf32, #tpu.memory_space<hbm>>
      %dma_start3A_218 = tpu.memref_squeeze %dma_start3A_217 : memref<1x8192xf32, #tpu.memory_space<hbm>> -> memref<8192xf32, #tpu.memory_space<hbm>>
      tpu.enqueue_dma source(%arg7 : memref<8192xf32, #tpu.memory_space<vmem>>) target(%dma_start3A_218 : memref<8192xf32, #tpu.memory_space<hbm>>) target_semaphore(%run_scoped3A : memref<!tpu.dma_semaphore, #tpu.memory_space<semaphore_mem>>)
      %dma_wait3A = arith.constant 8192 : i32
      %dma_wait3A_219 = tpu.memref_slice %arg4[%add3A_32, %dma_wait3A] : memref<192x16384xf32, #tpu.memory_space<hbm>> -> memref<1x8192xf32, #tpu.memory_space<hbm>>
      %dma_wait3A_220 = tpu.memref_squeeze %dma_wait3A_219 : memref<1x8192xf32, #tpu.memory_space<hbm>> -> memref<8192xf32, #tpu.memory_space<hbm>>
      %dma_wait3A_221 = arith.constant 8192 : i32
      %dma_wait3A_222 = tpu.memref_slice %arg4[%add3A_32, %dma_wait3A_221] : memref<192x16384xf32, #tpu.memory_space<hbm>> -> memref<1x8192xf32, #tpu.memory_space<hbm>>
      %dma_wait3A_223 = tpu.memref_squeeze %dma_wait3A_222 : memref<1x8192xf32, #tpu.memory_space<hbm>> -> memref<8192xf32, #tpu.memory_space<hbm>>
      tpu.wait_dma2 semaphore(%run_scoped3A : memref<!tpu.dma_semaphore, #tpu.memory_space<semaphore_mem>>) src(%arg7 : memref<8192xf32, #tpu.memory_space<vmem>>) dst(%dma_wait3A_223 : memref<8192xf32, #tpu.memory_space<hbm>>)
      tpu.yield
    }) : () -> ()
    %mul3A_66 = arith.constant 6 : i32
    %mul3A_67 = arith.muli %add3A, %mul3A_66 : i32
    %add3A_68 = arith.constant 2 : i32
    %add3A_69 = arith.addi %mul3A_67, %add3A_68 : i32
    %jit3A_70 = arith.constant 64 : i32
    %div3A_71 = arith.divsi %add3A_69, %jit3A_70 : i32
    %sign3A_72 = arith.constant 0 : i32
    %sign3A_73 = arith.cmpi sgt, %add3A_69, %sign3A_72 : i32
    %sign3A_74 = arith.extui %sign3A_73 : i1 to i32
    %sign3A_75 = arith.constant 0 : i32
    %sign3A_76 = arith.cmpi slt, %add3A_69, %sign3A_75 : i32
    %sign3A_77 = arith.extui %sign3A_76 : i1 to i32
    %sign3A_78 = arith.subi %sign3A_74, %sign3A_77 : i32
    %sign3A_79 = arith.constant 0 : i32
    %sign3A_80 = arith.cmpi sgt, %jit3A_70, %sign3A_79 : i32
    %sign3A_81 = arith.extui %sign3A_80 : i1 to i32
    %sign3A_82 = arith.constant 0 : i32
    %sign3A_83 = arith.cmpi slt, %jit3A_70, %sign3A_82 : i32
    %sign3A_84 = arith.extui %sign3A_83 : i1 to i32
    %sign3A_85 = arith.subi %sign3A_81, %sign3A_84 : i32
    %ne3A_86 = arith.cmpi ne, %sign3A_78, %sign3A_85 : i32
    %rem3A_87 = arith.remsi %add3A_69, %jit3A_70 : i32
    %ne3A_88 = arith.constant 0 : i32
    %ne3A_89 = arith.cmpi ne, %rem3A_87, %ne3A_88 : i32
    %and3A_90 = arith.andi %ne3A_86, %ne3A_89 : i1
    %sub3A_91 = arith.constant 1 : i32
    %sub3A_92 = arith.subi %div3A_71, %sub3A_91 : i32
    %select_n3A_93 = arith.select %and3A_90, %sub3A_92, %div3A_71 : i32
    %mul3A_94 = arith.constant 64 : i32
    %mul3A_95 = arith.muli %select_n3A_93, %mul3A_94 : i32
    %sub3A_96 = arith.subi %add3A_69, %mul3A_95 : i32
    "tpu.region"() ({
      %run_scoped3A = tpu.sem_alloc : memref<!tpu.dma_semaphore, #tpu.memory_space<semaphore_mem>>
      %dma_start3A = arith.constant 0 : i32
      %dma_start3A_214 = tpu.memref_slice %arg2[%select_n3A_93, %sub3A_96, %dma_start3A] : memref<3x64x100000xf32, #tpu.memory_space<hbm>> -> memref<1x1x100000xf32, #tpu.memory_space<hbm>>
      %dma_start3A_215 = tpu.memref_squeeze %dma_start3A_214 : memref<1x1x100000xf32, #tpu.memory_space<hbm>> -> memref<100000xf32, #tpu.memory_space<hbm>>
      %dma_start3A_216 = arith.constant 0 : i32
      %dma_start3A_217 = tpu.memref_slice %arg2[%select_n3A_93, %sub3A_96, %dma_start3A_216] : memref<3x64x100000xf32, #tpu.memory_space<hbm>> -> memref<1x1x100000xf32, #tpu.memory_space<hbm>>
      %dma_start3A_218 = tpu.memref_squeeze %dma_start3A_217 : memref<1x1x100000xf32, #tpu.memory_space<hbm>> -> memref<100000xf32, #tpu.memory_space<hbm>>
      tpu.enqueue_dma source(%dma_start3A_218 : memref<100000xf32, #tpu.memory_space<hbm>>) target(%arg6 : memref<100000xf32, #tpu.memory_space<vmem>>) target_semaphore(%run_scoped3A : memref<!tpu.dma_semaphore, #tpu.memory_space<semaphore_mem>>)
      %dma_wait3A = arith.constant 0 : i32
      %dma_wait3A_219 = tpu.memref_slice %arg2[%select_n3A_93, %sub3A_96, %dma_wait3A] : memref<3x64x100000xf32, #tpu.memory_space<hbm>> -> memref<1x1x100000xf32, #tpu.memory_space<hbm>>
      %dma_wait3A_220 = tpu.memref_squeeze %dma_wait3A_219 : memref<1x1x100000xf32, #tpu.memory_space<hbm>> -> memref<100000xf32, #tpu.memory_space<hbm>>
      %dma_wait3A_221 = arith.constant 0 : i32
      %dma_wait3A_222 = tpu.memref_slice %arg2[%select_n3A_93, %sub3A_96, %dma_wait3A_221] : memref<3x64x100000xf32, #tpu.memory_space<hbm>> -> memref<1x1x100000xf32, #tpu.memory_space<hbm>>
      %dma_wait3A_223 = tpu.memref_squeeze %dma_wait3A_222 : memref<1x1x100000xf32, #tpu.memory_space<hbm>> -> memref<100000xf32, #tpu.memory_space<hbm>>
      tpu.wait_dma2 semaphore(%run_scoped3A : memref<!tpu.dma_semaphore, #tpu.memory_space<semaphore_mem>>) src(%dma_wait3A_223 : memref<100000xf32, #tpu.memory_space<hbm>>) dst(%arg6 : memref<100000xf32, #tpu.memory_space<vmem>>)
      tpu.yield
    }) : () -> ()
    %parallel_loop3A_97 = arith.constant 0 : i32
    %parallel_loop3A_98 = arith.constant 512 : i32
    %parallel_loop3A_99 = arith.constant 1 : i32
    scf.for %parallel_loop3A_214 = %parallel_loop3A_97 to %parallel_loop3A_98 step %parallel_loop3A_99  : i32 {
      %parallel_loop3A_215 = arith.constant 16 : i32
      %parallel_loop3A_216 = arith.muli %parallel_loop3A_214, %parallel_loop3A_215 : i32
      %parallel_loop3A_217 = arith.constant 0 : i32
      %parallel_loop3A_218 = arith.addi %parallel_loop3A_217, %parallel_loop3A_216 : i32
      %parallel_loop3A_219 = arith.index_cast %parallel_loop3A_218 : i32 to index
      %parallel_loop3A_220 = tpu.vector_load %arg5[%parallel_loop3A_219] {strides = array<i32>} : memref<16384xi32, #tpu.memory_space<vmem>>, vector<16xi32>,
      %parallel_loop3A_221 = tpu.vector_load_idx %arg6[%parallel_loop3A_220] : memref<100000xf32, #tpu.memory_space<vmem>>[vector<16xi32>], vector<16xf32>,
      %parallel_loop3A_222 = arith.constant 16 : i32
      %parallel_loop3A_223 = arith.muli %parallel_loop3A_214, %parallel_loop3A_222 : i32
      %parallel_loop3A_224 = arith.index_cast %parallel_loop3A_223 : i32 to index
      %parallel_loop3A_225 = tpu.vector_load %arg7[%parallel_loop3A_224] {strides = array<i32>} : memref<8192xf32, #tpu.memory_space<vmem>>, vector<16xf32>,
      tpu.vector_store %arg7[%parallel_loop3A_224], %parallel_loop3A_221 {strides = array<i32>} : memref<8192xf32, #tpu.memory_space<vmem>>, vector<16xf32>,
    } {sc.loop_unroll_factor = 8 : i64, sc.parallel_access}
    "tpu.region"() ({
      %run_scoped3A = tpu.sem_alloc : memref<!tpu.dma_semaphore, #tpu.memory_space<semaphore_mem>>
      %dma_start3A = arith.constant 0 : i32
      %dma_start3A_214 = tpu.memref_slice %arg4[%add3A_69, %dma_start3A] : memref<192x16384xf32, #tpu.memory_space<hbm>> -> memref<1x8192xf32, #tpu.memory_space<hbm>>
      %dma_start3A_215 = tpu.memref_squeeze %dma_start3A_214 : memref<1x8192xf32, #tpu.memory_space<hbm>> -> memref<8192xf32, #tpu.memory_space<hbm>>
      %dma_start3A_216 = arith.constant 0 : i32
      %dma_start3A_217 = tpu.memref_slice %arg4[%add3A_69, %dma_start3A_216] : memref<192x16384xf32, #tpu.memory_space<hbm>> -> memref<1x8192xf32, #tpu.memory_space<hbm>>
      %dma_start3A_218 = tpu.memref_squeeze %dma_start3A_217 : memref<1x8192xf32, #tpu.memory_space<hbm>> -> memref<8192xf32, #tpu.memory_space<hbm>>
      tpu.enqueue_dma source(%arg7 : memref<8192xf32, #tpu.memory_space<vmem>>) target(%dma_start3A_218 : memref<8192xf32, #tpu.memory_space<hbm>>) target_semaphore(%run_scoped3A : memref<!tpu.dma_semaphore, #tpu.memory_space<semaphore_mem>>)
      %dma_wait3A = arith.constant 0 : i32
      %dma_wait3A_219 = tpu.memref_slice %arg4[%add3A_69, %dma_wait3A] : memref<192x16384xf32, #tpu.memory_space<hbm>> -> memref<1x8192xf32, #tpu.memory_space<hbm>>
      %dma_wait3A_220 = tpu.memref_squeeze %dma_wait3A_219 : memref<1x8192xf32, #tpu.memory_space<hbm>> -> memref<8192xf32, #tpu.memory_space<hbm>>
      %dma_wait3A_221 = arith.constant 0 : i32
      %dma_wait3A_222 = tpu.memref_slice %arg4[%add3A_69, %dma_wait3A_221] : memref<192x16384xf32, #tpu.memory_space<hbm>> -> memref<1x8192xf32, #tpu.memory_space<hbm>>
      %dma_wait3A_223 = tpu.memref_squeeze %dma_wait3A_222 : memref<1x8192xf32, #tpu.memory_space<hbm>> -> memref<8192xf32, #tpu.memory_space<hbm>>
      tpu.wait_dma2 semaphore(%run_scoped3A : memref<!tpu.dma_semaphore, #tpu.memory_space<semaphore_mem>>) src(%arg7 : memref<8192xf32, #tpu.memory_space<vmem>>) dst(%dma_wait3A_223 : memref<8192xf32, #tpu.memory_space<hbm>>)
      tpu.yield
    }) : () -> ()
    %parallel_loop3A_100 = arith.constant 0 : i32
    %parallel_loop3A_101 = arith.constant 512 : i32
    %parallel_loop3A_102 = arith.constant 1 : i32
    scf.for %parallel_loop3A_214 = %parallel_loop3A_100 to %parallel_loop3A_101 step %parallel_loop3A_102  : i32 {
      %parallel_loop3A_215 = arith.constant 16 : i32
      %parallel_loop3A_216 = arith.muli %parallel_loop3A_214, %parallel_loop3A_215 : i32
      %parallel_loop3A_217 = arith.constant 8192 : i32
      %parallel_loop3A_218 = arith.addi %parallel_loop3A_217, %parallel_loop3A_216 : i32
      %parallel_loop3A_219 = arith.index_cast %parallel_loop3A_218 : i32 to index
      %parallel_loop3A_220 = tpu.vector_load %arg5[%parallel_loop3A_219] {strides = array<i32>} : memref<16384xi32, #tpu.memory_space<vmem>>, vector<16xi32>,
      %parallel_loop3A_221 = tpu.vector_load_idx %arg6[%parallel_loop3A_220] : memref<100000xf32, #tpu.memory_space<vmem>>[vector<16xi32>], vector<16xf32>,
      %parallel_loop3A_222 = arith.constant 16 : i32
      %parallel_loop3A_223 = arith.muli %parallel_loop3A_214, %parallel_loop3A_222 : i32
      %parallel_loop3A_224 = arith.index_cast %parallel_loop3A_223 : i32 to index
      %parallel_loop3A_225 = tpu.vector_load %arg7[%parallel_loop3A_224] {strides = array<i32>} : memref<8192xf32, #tpu.memory_space<vmem>>, vector<16xf32>,
      tpu.vector_store %arg7[%parallel_loop3A_224], %parallel_loop3A_221 {strides = array<i32>} : memref<8192xf32, #tpu.memory_space<vmem>>, vector<16xf32>,
    } {sc.loop_unroll_factor = 8 : i64, sc.parallel_access}
    "tpu.region"() ({
      %run_scoped3A = tpu.sem_alloc : memref<!tpu.dma_semaphore, #tpu.memory_space<semaphore_mem>>
      %dma_start3A = arith.constant 8192 : i32
      %dma_start3A_214 = tpu.memref_slice %arg4[%add3A_69, %dma_start3A] : memref<192x16384xf32, #tpu.memory_space<hbm>> -> memref<1x8192xf32, #tpu.memory_space<hbm>>
      %dma_start3A_215 = tpu.memref_squeeze %dma_start3A_214 : memref<1x8192xf32, #tpu.memory_space<hbm>> -> memref<8192xf32, #tpu.memory_space<hbm>>
      %dma_start3A_216 = arith.constant 8192 : i32
      %dma_start3A_217 = tpu.memref_slice %arg4[%add3A_69, %dma_start3A_216] : memref<192x16384xf32, #tpu.memory_space<hbm>> -> memref<1x8192xf32, #tpu.memory_space<hbm>>
      %dma_start3A_218 = tpu.memref_squeeze %dma_start3A_217 : memref<1x8192xf32, #tpu.memory_space<hbm>> -> memref<8192xf32, #tpu.memory_space<hbm>>
      tpu.enqueue_dma source(%arg7 : memref<8192xf32, #tpu.memory_space<vmem>>) target(%dma_start3A_218 : memref<8192xf32, #tpu.memory_space<hbm>>) target_semaphore(%run_scoped3A : memref<!tpu.dma_semaphore, #tpu.memory_space<semaphore_mem>>)
      %dma_wait3A = arith.constant 8192 : i32
      %dma_wait3A_219 = tpu.memref_slice %arg4[%add3A_69, %dma_wait3A] : memref<192x16384xf32, #tpu.memory_space<hbm>> -> memref<1x8192xf32, #tpu.memory_space<hbm>>
      %dma_wait3A_220 = tpu.memref_squeeze %dma_wait3A_219 : memref<1x8192xf32, #tpu.memory_space<hbm>> -> memref<8192xf32, #tpu.memory_space<hbm>>
      %dma_wait3A_221 = arith.constant 8192 : i32
      %dma_wait3A_222 = tpu.memref_slice %arg4[%add3A_69, %dma_wait3A_221] : memref<192x16384xf32, #tpu.memory_space<hbm>> -> memref<1x8192xf32, #tpu.memory_space<hbm>>
      %dma_wait3A_223 = tpu.memref_squeeze %dma_wait3A_222 : memref<1x8192xf32, #tpu.memory_space<hbm>> -> memref<8192xf32, #tpu.memory_space<hbm>>
      tpu.wait_dma2 semaphore(%run_scoped3A : memref<!tpu.dma_semaphore, #tpu.memory_space<semaphore_mem>>) src(%arg7 : memref<8192xf32, #tpu.memory_space<vmem>>) dst(%dma_wait3A_223 : memref<8192xf32, #tpu.memory_space<hbm>>)
      tpu.yield
    }) : () -> ()
    %mul3A_103 = arith.constant 6 : i32
    %mul3A_104 = arith.muli %add3A, %mul3A_103 : i32
    %add3A_105 = arith.constant 3 : i32
    %add3A_106 = arith.addi %mul3A_104, %add3A_105 : i32
    %jit3A_107 = arith.constant 64 : i32
    %div3A_108 = arith.divsi %add3A_106, %jit3A_107 : i32
    %sign3A_109 = arith.constant 0 : i32
    %sign3A_110 = arith.cmpi sgt, %add3A_106, %sign3A_109 : i32
    %sign3A_111 = arith.extui %sign3A_110 : i1 to i32
    %sign3A_112 = arith.constant 0 : i32
    %sign3A_113 = arith.cmpi slt, %add3A_106, %sign3A_112 : i32
    %sign3A_114 = arith.extui %sign3A_113 : i1 to i32
    %sign3A_115 = arith.subi %sign3A_111, %sign3A_114 : i32
    %sign3A_116 = arith.constant 0 : i32
    %sign3A_117 = arith.cmpi sgt, %jit3A_107, %sign3A_116 : i32
    %sign3A_118 = arith.extui %sign3A_117 : i1 to i32
    %sign3A_119 = arith.constant 0 : i32
    %sign3A_120 = arith.cmpi slt, %jit3A_107, %sign3A_119 : i32
    %sign3A_121 = arith.extui %sign3A_120 : i1 to i32
    %sign3A_122 = arith.subi %sign3A_118, %sign3A_121 : i32
    %ne3A_123 = arith.cmpi ne, %sign3A_115, %sign3A_122 : i32
    %rem3A_124 = arith.remsi %add3A_106, %jit3A_107 : i32
    %ne3A_125 = arith.constant 0 : i32
    %ne3A_126 = arith.cmpi ne, %rem3A_124, %ne3A_125 : i32
    %and3A_127 = arith.andi %ne3A_123, %ne3A_126 : i1
    %sub3A_128 = arith.constant 1 : i32
    %sub3A_129 = arith.subi %div3A_108, %sub3A_128 : i32
    %select_n3A_130 = arith.select %and3A_127, %sub3A_129, %div3A_108 : i32
    %mul3A_131 = arith.constant 64 : i32
    %mul3A_132 = arith.muli %select_n3A_130, %mul3A_131 : i32
    %sub3A_133 = arith.subi %add3A_106, %mul3A_132 : i32
    "tpu.region"() ({
      %run_scoped3A = tpu.sem_alloc : memref<!tpu.dma_semaphore, #tpu.memory_space<semaphore_mem>>
      %dma_start3A = arith.constant 0 : i32
      %dma_start3A_214 = tpu.memref_slice %arg2[%select_n3A_130, %sub3A_133, %dma_start3A] : memref<3x64x100000xf32, #tpu.memory_space<hbm>> -> memref<1x1x100000xf32, #tpu.memory_space<hbm>>
      %dma_start3A_215 = tpu.memref_squeeze %dma_start3A_214 : memref<1x1x100000xf32, #tpu.memory_space<hbm>> -> memref<100000xf32, #tpu.memory_space<hbm>>
      %dma_start3A_216 = arith.constant 0 : i32
      %dma_start3A_217 = tpu.memref_slice %arg2[%select_n3A_130, %sub3A_133, %dma_start3A_216] : memref<3x64x100000xf32, #tpu.memory_space<hbm>> -> memref<1x1x100000xf32, #tpu.memory_space<hbm>>
      %dma_start3A_218 = tpu.memref_squeeze %dma_start3A_217 : memref<1x1x100000xf32, #tpu.memory_space<hbm>> -> memref<100000xf32, #tpu.memory_space<hbm>>
      tpu.enqueue_dma source(%dma_start3A_218 : memref<100000xf32, #tpu.memory_space<hbm>>) target(%arg6 : memref<100000xf32, #tpu.memory_space<vmem>>) target_semaphore(%run_scoped3A : memref<!tpu.dma_semaphore, #tpu.memory_space<semaphore_mem>>)
      %dma_wait3A = arith.constant 0 : i32
      %dma_wait3A_219 = tpu.memref_slice %arg2[%select_n3A_130, %sub3A_133, %dma_wait3A] : memref<3x64x100000xf32, #tpu.memory_space<hbm>> -> memref<1x1x100000xf32, #tpu.memory_space<hbm>>
      %dma_wait3A_220 = tpu.memref_squeeze %dma_wait3A_219 : memref<1x1x100000xf32, #tpu.memory_space<hbm>> -> memref<100000xf32, #tpu.memory_space<hbm>>
      %dma_wait3A_221 = arith.constant 0 : i32
      %dma_wait3A_222 = tpu.memref_slice %arg2[%select_n3A_130, %sub3A_133, %dma_wait3A_221] : memref<3x64x100000xf32, #tpu.memory_space<hbm>> -> memref<1x1x100000xf32, #tpu.memory_space<hbm>>
      %dma_wait3A_223 = tpu.memref_squeeze %dma_wait3A_222 : memref<1x1x100000xf32, #tpu.memory_space<hbm>> -> memref<100000xf32, #tpu.memory_space<hbm>>
      tpu.wait_dma2 semaphore(%run_scoped3A : memref<!tpu.dma_semaphore, #tpu.memory_space<semaphore_mem>>) src(%dma_wait3A_223 : memref<100000xf32, #tpu.memory_space<hbm>>) dst(%arg6 : memref<100000xf32, #tpu.memory_space<vmem>>)
      tpu.yield
    }) : () -> ()
    %parallel_loop3A_134 = arith.constant 0 : i32
    %parallel_loop3A_135 = arith.constant 512 : i32
    %parallel_loop3A_136 = arith.constant 1 : i32
    scf.for %parallel_loop3A_214 = %parallel_loop3A_134 to %parallel_loop3A_135 step %parallel_loop3A_136  : i32 {
      %parallel_loop3A_215 = arith.constant 16 : i32
      %parallel_loop3A_216 = arith.muli %parallel_loop3A_214, %parallel_loop3A_215 : i32
      %parallel_loop3A_217 = arith.constant 0 : i32
      %parallel_loop3A_218 = arith.addi %parallel_loop3A_217, %parallel_loop3A_216 : i32
      %parallel_loop3A_219 = arith.index_cast %parallel_loop3A_218 : i32 to index
      %parallel_loop3A_220 = tpu.vector_load %arg5[%parallel_loop3A_219] {strides = array<i32>} : memref<16384xi32, #tpu.memory_space<vmem>>, vector<16xi32>,
      %parallel_loop3A_221 = tpu.vector_load_idx %arg6[%parallel_loop3A_220] : memref<100000xf32, #tpu.memory_space<vmem>>[vector<16xi32>], vector<16xf32>,
      %parallel_loop3A_222 = arith.constant 16 : i32
      %parallel_loop3A_223 = arith.muli %parallel_loop3A_214, %parallel_loop3A_222 : i32
      %parallel_loop3A_224 = arith.index_cast %parallel_loop3A_223 : i32 to index
      %parallel_loop3A_225 = tpu.vector_load %arg7[%parallel_loop3A_224] {strides = array<i32>} : memref<8192xf32, #tpu.memory_space<vmem>>, vector<16xf32>,
      tpu.vector_store %arg7[%parallel_loop3A_224], %parallel_loop3A_221 {strides = array<i32>} : memref<8192xf32, #tpu.memory_space<vmem>>, vector<16xf32>,
    } {sc.loop_unroll_factor = 8 : i64, sc.parallel_access}
    "tpu.region"() ({
      %run_scoped3A = tpu.sem_alloc : memref<!tpu.dma_semaphore, #tpu.memory_space<semaphore_mem>>
      %dma_start3A = arith.constant 0 : i32
      %dma_start3A_214 = tpu.memref_slice %arg4[%add3A_106, %dma_start3A] : memref<192x16384xf32, #tpu.memory_space<hbm>> -> memref<1x8192xf32, #tpu.memory_space<hbm>>
      %dma_start3A_215 = tpu.memref_squeeze %dma_start3A_214 : memref<1x8192xf32, #tpu.memory_space<hbm>> -> memref<8192xf32, #tpu.memory_space<hbm>>
      %dma_start3A_216 = arith.constant 0 : i32
      %dma_start3A_217 = tpu.memref_slice %arg4[%add3A_106, %dma_start3A_216] : memref<192x16384xf32, #tpu.memory_space<hbm>> -> memref<1x8192xf32, #tpu.memory_space<hbm>>
      %dma_start3A_218 = tpu.memref_squeeze %dma_start3A_217 : memref<1x8192xf32, #tpu.memory_space<hbm>> -> memref<8192xf32, #tpu.memory_space<hbm>>
      tpu.enqueue_dma source(%arg7 : memref<8192xf32, #tpu.memory_space<vmem>>) target(%dma_start3A_218 : memref<8192xf32, #tpu.memory_space<hbm>>) target_semaphore(%run_scoped3A : memref<!tpu.dma_semaphore, #tpu.memory_space<semaphore_mem>>)
      %dma_wait3A = arith.constant 0 : i32
      %dma_wait3A_219 = tpu.memref_slice %arg4[%add3A_106, %dma_wait3A] : memref<192x16384xf32, #tpu.memory_space<hbm>> -> memref<1x8192xf32, #tpu.memory_space<hbm>>
      %dma_wait3A_220 = tpu.memref_squeeze %dma_wait3A_219 : memref<1x8192xf32, #tpu.memory_space<hbm>> -> memref<8192xf32, #tpu.memory_space<hbm>>
      %dma_wait3A_221 = arith.constant 0 : i32
      %dma_wait3A_222 = tpu.memref_slice %arg4[%add3A_106, %dma_wait3A_221] : memref<192x16384xf32, #tpu.memory_space<hbm>> -> memref<1x8192xf32, #tpu.memory_space<hbm>>
      %dma_wait3A_223 = tpu.memref_squeeze %dma_wait3A_222 : memref<1x8192xf32, #tpu.memory_space<hbm>> -> memref<8192xf32, #tpu.memory_space<hbm>>
      tpu.wait_dma2 semaphore(%run_scoped3A : memref<!tpu.dma_semaphore, #tpu.memory_space<semaphore_mem>>) src(%arg7 : memref<8192xf32, #tpu.memory_space<vmem>>) dst(%dma_wait3A_223 : memref<8192xf32, #tpu.memory_space<hbm>>)
      tpu.yield
    }) : () -> ()
    %parallel_loop3A_137 = arith.constant 0 : i32
    %parallel_loop3A_138 = arith.constant 512 : i32
    %parallel_loop3A_139 = arith.constant 1 : i32
    scf.for %parallel_loop3A_214 = %parallel_loop3A_137 to %parallel_loop3A_138 step %parallel_loop3A_139  : i32 {
      %parallel_loop3A_215 = arith.constant 16 : i32
      %parallel_loop3A_216 = arith.muli %parallel_loop3A_214, %parallel_loop3A_215 : i32
      %parallel_loop3A_217 = arith.constant 8192 : i32
      %parallel_loop3A_218 = arith.addi %parallel_loop3A_217, %parallel_loop3A_216 : i32
      %parallel_loop3A_219 = arith.index_cast %parallel_loop3A_218 : i32 to index
      %parallel_loop3A_220 = tpu.vector_load %arg5[%parallel_loop3A_219] {strides = array<i32>} : memref<16384xi32, #tpu.memory_space<vmem>>, vector<16xi32>,
      %parallel_loop3A_221 = tpu.vector_load_idx %arg6[%parallel_loop3A_220] : memref<100000xf32, #tpu.memory_space<vmem>>[vector<16xi32>], vector<16xf32>,
      %parallel_loop3A_222 = arith.constant 16 : i32
      %parallel_loop3A_223 = arith.muli %parallel_loop3A_214, %parallel_loop3A_222 : i32
      %parallel_loop3A_224 = arith.index_cast %parallel_loop3A_223 : i32 to index
      %parallel_loop3A_225 = tpu.vector_load %arg7[%parallel_loop3A_224] {strides = array<i32>} : memref<8192xf32, #tpu.memory_space<vmem>>, vector<16xf32>,
      tpu.vector_store %arg7[%parallel_loop3A_224], %parallel_loop3A_221 {strides = array<i32>} : memref<8192xf32, #tpu.memory_space<vmem>>, vector<16xf32>,
    } {sc.loop_unroll_factor = 8 : i64, sc.parallel_access}
    "tpu.region"() ({
      %run_scoped3A = tpu.sem_alloc : memref<!tpu.dma_semaphore, #tpu.memory_space<semaphore_mem>>
      %dma_start3A = arith.constant 8192 : i32
      %dma_start3A_214 = tpu.memref_slice %arg4[%add3A_106, %dma_start3A] : memref<192x16384xf32, #tpu.memory_space<hbm>> -> memref<1x8192xf32, #tpu.memory_space<hbm>>
      %dma_start3A_215 = tpu.memref_squeeze %dma_start3A_214 : memref<1x8192xf32, #tpu.memory_space<hbm>> -> memref<8192xf32, #tpu.memory_space<hbm>>
      %dma_start3A_216 = arith.constant 8192 : i32
      %dma_start3A_217 = tpu.memref_slice %arg4[%add3A_106, %dma_start3A_216] : memref<192x16384xf32, #tpu.memory_space<hbm>> -> memref<1x8192xf32, #tpu.memory_space<hbm>>
      %dma_start3A_218 = tpu.memref_squeeze %dma_start3A_217 : memref<1x8192xf32, #tpu.memory_space<hbm>> -> memref<8192xf32, #tpu.memory_space<hbm>>
      tpu.enqueue_dma source(%arg7 : memref<8192xf32, #tpu.memory_space<vmem>>) target(%dma_start3A_218 : memref<8192xf32, #tpu.memory_space<hbm>>) target_semaphore(%run_scoped3A : memref<!tpu.dma_semaphore, #tpu.memory_space<semaphore_mem>>)
      %dma_wait3A = arith.constant 8192 : i32
      %dma_wait3A_219 = tpu.memref_slice %arg4[%add3A_106, %dma_wait3A] : memref<192x16384xf32, #tpu.memory_space<hbm>> -> memref<1x8192xf32, #tpu.memory_space<hbm>>
      %dma_wait3A_220 = tpu.memref_squeeze %dma_wait3A_219 : memref<1x8192xf32, #tpu.memory_space<hbm>> -> memref<8192xf32, #tpu.memory_space<hbm>>
      %dma_wait3A_221 = arith.constant 8192 : i32
      %dma_wait3A_222 = tpu.memref_slice %arg4[%add3A_106, %dma_wait3A_221] : memref<192x16384xf32, #tpu.memory_space<hbm>> -> memref<1x8192xf32, #tpu.memory_space<hbm>>
      %dma_wait3A_223 = tpu.memref_squeeze %dma_wait3A_222 : memref<1x8192xf32, #tpu.memory_space<hbm>> -> memref<8192xf32, #tpu.memory_space<hbm>>
      tpu.wait_dma2 semaphore(%run_scoped3A : memref<!tpu.dma_semaphore, #tpu.memory_space<semaphore_mem>>) src(%arg7 : memref<8192xf32, #tpu.memory_space<vmem>>) dst(%dma_wait3A_223 : memref<8192xf32, #tpu.memory_space<hbm>>)
      tpu.yield
    }) : () -> ()
    %mul3A_140 = arith.constant 6 : i32
    %mul3A_141 = arith.muli %add3A, %mul3A_140 : i32
    %add3A_142 = arith.constant 4 : i32
    %add3A_143 = arith.addi %mul3A_141, %add3A_142 : i32
    %jit3A_144 = arith.constant 64 : i32
    %div3A_145 = arith.divsi %add3A_143, %jit3A_144 : i32
    %sign3A_146 = arith.constant 0 : i32
    %sign3A_147 = arith.cmpi sgt, %add3A_143, %sign3A_146 : i32
    %sign3A_148 = arith.extui %sign3A_147 : i1 to i32
    %sign3A_149 = arith.constant 0 : i32
    %sign3A_150 = arith.cmpi slt, %add3A_143, %sign3A_149 : i32
    %sign3A_151 = arith.extui %sign3A_150 : i1 to i32
    %sign3A_152 = arith.subi %sign3A_148, %sign3A_151 : i32
    %sign3A_153 = arith.constant 0 : i32
    %sign3A_154 = arith.cmpi sgt, %jit3A_144, %sign3A_153 : i32
    %sign3A_155 = arith.extui %sign3A_154 : i1 to i32
    %sign3A_156 = arith.constant 0 : i32
    %sign3A_157 = arith.cmpi slt, %jit3A_144, %sign3A_156 : i32
    %sign3A_158 = arith.extui %sign3A_157 : i1 to i32
    %sign3A_159 = arith.subi %sign3A_155, %sign3A_158 : i32
    %ne3A_160 = arith.cmpi ne, %sign3A_152, %sign3A_159 : i32
    %rem3A_161 = arith.remsi %add3A_143, %jit3A_144 : i32
    %ne3A_162 = arith.constant 0 : i32
    %ne3A_163 = arith.cmpi ne, %rem3A_161, %ne3A_162 : i32
    %and3A_164 = arith.andi %ne3A_160, %ne3A_163 : i1
    %sub3A_165 = arith.constant 1 : i32
    %sub3A_166 = arith.subi %div3A_145, %sub3A_165 : i32
    %select_n3A_167 = arith.select %and3A_164, %sub3A_166, %div3A_145 : i32
    %mul3A_168 = arith.constant 64 : i32
    %mul3A_169 = arith.muli %select_n3A_167, %mul3A_168 : i32
    %sub3A_170 = arith.subi %add3A_143, %mul3A_169 : i32
    "tpu.region"() ({
      %run_scoped3A = tpu.sem_alloc : memref<!tpu.dma_semaphore, #tpu.memory_space<semaphore_mem>>
      %dma_start3A = arith.constant 0 : i32
      %dma_start3A_214 = tpu.memref_slice %arg2[%select_n3A_167, %sub3A_170, %dma_start3A] : memref<3x64x100000xf32, #tpu.memory_space<hbm>> -> memref<1x1x100000xf32, #tpu.memory_space<hbm>>
      %dma_start3A_215 = tpu.memref_squeeze %dma_start3A_214 : memref<1x1x100000xf32, #tpu.memory_space<hbm>> -> memref<100000xf32, #tpu.memory_space<hbm>>
      %dma_start3A_216 = arith.constant 0 : i32
      %dma_start3A_217 = tpu.memref_slice %arg2[%select_n3A_167, %sub3A_170, %dma_start3A_216] : memref<3x64x100000xf32, #tpu.memory_space<hbm>> -> memref<1x1x100000xf32, #tpu.memory_space<hbm>>
      %dma_start3A_218 = tpu.memref_squeeze %dma_start3A_217 : memref<1x1x100000xf32, #tpu.memory_space<hbm>> -> memref<100000xf32, #tpu.memory_space<hbm>>
      tpu.enqueue_dma source(%dma_start3A_218 : memref<100000xf32, #tpu.memory_space<hbm>>) target(%arg6 : memref<100000xf32, #tpu.memory_space<vmem>>) target_semaphore(%run_scoped3A : memref<!tpu.dma_semaphore, #tpu.memory_space<semaphore_mem>>)
      %dma_wait3A = arith.constant 0 : i32
      %dma_wait3A_219 = tpu.memref_slice %arg2[%select_n3A_167, %sub3A_170, %dma_wait3A] : memref<3x64x100000xf32, #tpu.memory_space<hbm>> -> memref<1x1x100000xf32, #tpu.memory_space<hbm>>
      %dma_wait3A_220 = tpu.memref_squeeze %dma_wait3A_219 : memref<1x1x100000xf32, #tpu.memory_space<hbm>> -> memref<100000xf32, #tpu.memory_space<hbm>>
      %dma_wait3A_221 = arith.constant 0 : i32
      %dma_wait3A_222 = tpu.memref_slice %arg2[%select_n3A_167, %sub3A_170, %dma_wait3A_221] : memref<3x64x100000xf32, #tpu.memory_space<hbm>> -> memref<1x1x100000xf32, #tpu.memory_space<hbm>>
      %dma_wait3A_223 = tpu.memref_squeeze %dma_wait3A_222 : memref<1x1x100000xf32, #tpu.memory_space<hbm>> -> memref<100000xf32, #tpu.memory_space<hbm>>
      tpu.wait_dma2 semaphore(%run_scoped3A : memref<!tpu.dma_semaphore, #tpu.memory_space<semaphore_mem>>) src(%dma_wait3A_223 : memref<100000xf32, #tpu.memory_space<hbm>>) dst(%arg6 : memref<100000xf32, #tpu.memory_space<vmem>>)
      tpu.yield
    }) : () -> ()
    %parallel_loop3A_171 = arith.constant 0 : i32
    %parallel_loop3A_172 = arith.constant 512 : i32
    %parallel_loop3A_173 = arith.constant 1 : i32
    scf.for %parallel_loop3A_214 = %parallel_loop3A_171 to %parallel_loop3A_172 step %parallel_loop3A_173  : i32 {
      %parallel_loop3A_215 = arith.constant 16 : i32
      %parallel_loop3A_216 = arith.muli %parallel_loop3A_214, %parallel_loop3A_215 : i32
      %parallel_loop3A_217 = arith.constant 0 : i32
      %parallel_loop3A_218 = arith.addi %parallel_loop3A_217, %parallel_loop3A_216 : i32
      %parallel_loop3A_219 = arith.index_cast %parallel_loop3A_218 : i32 to index
      %parallel_loop3A_220 = tpu.vector_load %arg5[%parallel_loop3A_219] {strides = array<i32>} : memref<16384xi32, #tpu.memory_space<vmem>>, vector<16xi32>,
      %parallel_loop3A_221 = tpu.vector_load_idx %arg6[%parallel_loop3A_220] : memref<100000xf32, #tpu.memory_space<vmem>>[vector<16xi32>], vector<16xf32>,
      %parallel_loop3A_222 = arith.constant 16 : i32
      %parallel_loop3A_223 = arith.muli %parallel_loop3A_214, %parallel_loop3A_222 : i32
      %parallel_loop3A_224 = arith.index_cast %parallel_loop3A_223 : i32 to index
      %parallel_loop3A_225 = tpu.vector_load %arg7[%parallel_loop3A_224] {strides = array<i32>} : memref<8192xf32, #tpu.memory_space<vmem>>, vector<16xf32>,
      tpu.vector_store %arg7[%parallel_loop3A_224], %parallel_loop3A_221 {strides = array<i32>} : memref<8192xf32, #tpu.memory_space<vmem>>, vector<16xf32>,
    } {sc.loop_unroll_factor = 8 : i64, sc.parallel_access}
    "tpu.region"() ({
      %run_scoped3A = tpu.sem_alloc : memref<!tpu.dma_semaphore, #tpu.memory_space<semaphore_mem>>
      %dma_start3A = arith.constant 0 : i32
      %dma_start3A_214 = tpu.memref_slice %arg4[%add3A_143, %dma_start3A] : memref<192x16384xf32, #tpu.memory_space<hbm>> -> memref<1x8192xf32, #tpu.memory_space<hbm>>
      %dma_start3A_215 = tpu.memref_squeeze %dma_start3A_214 : memref<1x8192xf32, #tpu.memory_space<hbm>> -> memref<8192xf32, #tpu.memory_space<hbm>>
      %dma_start3A_216 = arith.constant 0 : i32
      %dma_start3A_217 = tpu.memref_slice %arg4[%add3A_143, %dma_start3A_216] : memref<192x16384xf32, #tpu.memory_space<hbm>> -> memref<1x8192xf32, #tpu.memory_space<hbm>>
      %dma_start3A_218 = tpu.memref_squeeze %dma_start3A_217 : memref<1x8192xf32, #tpu.memory_space<hbm>> -> memref<8192xf32, #tpu.memory_space<hbm>>
      tpu.enqueue_dma source(%arg7 : memref<8192xf32, #tpu.memory_space<vmem>>) target(%dma_start3A_218 : memref<8192xf32, #tpu.memory_space<hbm>>) target_semaphore(%run_scoped3A : memref<!tpu.dma_semaphore, #tpu.memory_space<semaphore_mem>>)
      %dma_wait3A = arith.constant 0 : i32
      %dma_wait3A_219 = tpu.memref_slice %arg4[%add3A_143, %dma_wait3A] : memref<192x16384xf32, #tpu.memory_space<hbm>> -> memref<1x8192xf32, #tpu.memory_space<hbm>>
      %dma_wait3A_220 = tpu.memref_squeeze %dma_wait3A_219 : memref<1x8192xf32, #tpu.memory_space<hbm>> -> memref<8192xf32, #tpu.memory_space<hbm>>
      %dma_wait3A_221 = arith.constant 0 : i32
      %dma_wait3A_222 = tpu.memref_slice %arg4[%add3A_143, %dma_wait3A_221] : memref<192x16384xf32, #tpu.memory_space<hbm>> -> memref<1x8192xf32, #tpu.memory_space<hbm>>
      %dma_wait3A_223 = tpu.memref_squeeze %dma_wait3A_222 : memref<1x8192xf32, #tpu.memory_space<hbm>> -> memref<8192xf32, #tpu.memory_space<hbm>>
      tpu.wait_dma2 semaphore(%run_scoped3A : memref<!tpu.dma_semaphore, #tpu.memory_space<semaphore_mem>>) src(%arg7 : memref<8192xf32, #tpu.memory_space<vmem>>) dst(%dma_wait3A_223 : memref<8192xf32, #tpu.memory_space<hbm>>)
      tpu.yield
    }) : () -> ()
    %parallel_loop3A_174 = arith.constant 0 : i32
    %parallel_loop3A_175 = arith.constant 512 : i32
    %parallel_loop3A_176 = arith.constant 1 : i32
    scf.for %parallel_loop3A_214 = %parallel_loop3A_174 to %parallel_loop3A_175 step %parallel_loop3A_176  : i32 {
      %parallel_loop3A_215 = arith.constant 16 : i32
      %parallel_loop3A_216 = arith.muli %parallel_loop3A_214, %parallel_loop3A_215 : i32
      %parallel_loop3A_217 = arith.constant 8192 : i32
      %parallel_loop3A_218 = arith.addi %parallel_loop3A_217, %parallel_loop3A_216 : i32
      %parallel_loop3A_219 = arith.index_cast %parallel_loop3A_218 : i32 to index
      %parallel_loop3A_220 = tpu.vector_load %arg5[%parallel_loop3A_219] {strides = array<i32>} : memref<16384xi32, #tpu.memory_space<vmem>>, vector<16xi32>,
      %parallel_loop3A_221 = tpu.vector_load_idx %arg6[%parallel_loop3A_220] : memref<100000xf32, #tpu.memory_space<vmem>>[vector<16xi32>], vector<16xf32>,
      %parallel_loop3A_222 = arith.constant 16 : i32
      %parallel_loop3A_223 = arith.muli %parallel_loop3A_214, %parallel_loop3A_222 : i32
      %parallel_loop3A_224 = arith.index_cast %parallel_loop3A_223 : i32 to index
      %parallel_loop3A_225 = tpu.vector_load %arg7[%parallel_loop3A_224] {strides = array<i32>} : memref<8192xf32, #tpu.memory_space<vmem>>, vector<16xf32>,
      tpu.vector_store %arg7[%parallel_loop3A_224], %parallel_loop3A_221 {strides = array<i32>} : memref<8192xf32, #tpu.memory_space<vmem>>, vector<16xf32>,
    } {sc.loop_unroll_factor = 8 : i64, sc.parallel_access}
    "tpu.region"() ({
      %run_scoped3A = tpu.sem_alloc : memref<!tpu.dma_semaphore, #tpu.memory_space<semaphore_mem>>
      %dma_start3A = arith.constant 8192 : i32
      %dma_start3A_214 = tpu.memref_slice %arg4[%add3A_143, %dma_start3A] : memref<192x16384xf32, #tpu.memory_space<hbm>> -> memref<1x8192xf32, #tpu.memory_space<hbm>>
      %dma_start3A_215 = tpu.memref_squeeze %dma_start3A_214 : memref<1x8192xf32, #tpu.memory_space<hbm>> -> memref<8192xf32, #tpu.memory_space<hbm>>
      %dma_start3A_216 = arith.constant 8192 : i32
      %dma_start3A_217 = tpu.memref_slice %arg4[%add3A_143, %dma_start3A_216] : memref<192x16384xf32, #tpu.memory_space<hbm>> -> memref<1x8192xf32, #tpu.memory_space<hbm>>
      %dma_start3A_218 = tpu.memref_squeeze %dma_start3A_217 : memref<1x8192xf32, #tpu.memory_space<hbm>> -> memref<8192xf32, #tpu.memory_space<hbm>>
      tpu.enqueue_dma source(%arg7 : memref<8192xf32, #tpu.memory_space<vmem>>) target(%dma_start3A_218 : memref<8192xf32, #tpu.memory_space<hbm>>) target_semaphore(%run_scoped3A : memref<!tpu.dma_semaphore, #tpu.memory_space<semaphore_mem>>)
      %dma_wait3A = arith.constant 8192 : i32
      %dma_wait3A_219 = tpu.memref_slice %arg4[%add3A_143, %dma_wait3A] : memref<192x16384xf32, #tpu.memory_space<hbm>> -> memref<1x8192xf32, #tpu.memory_space<hbm>>
      %dma_wait3A_220 = tpu.memref_squeeze %dma_wait3A_219 : memref<1x8192xf32, #tpu.memory_space<hbm>> -> memref<8192xf32, #tpu.memory_space<hbm>>
      %dma_wait3A_221 = arith.constant 8192 : i32
      %dma_wait3A_222 = tpu.memref_slice %arg4[%add3A_143, %dma_wait3A_221] : memref<192x16384xf32, #tpu.memory_space<hbm>> -> memref<1x8192xf32, #tpu.memory_space<hbm>>
      %dma_wait3A_223 = tpu.memref_squeeze %dma_wait3A_222 : memref<1x8192xf32, #tpu.memory_space<hbm>> -> memref<8192xf32, #tpu.memory_space<hbm>>
      tpu.wait_dma2 semaphore(%run_scoped3A : memref<!tpu.dma_semaphore, #tpu.memory_space<semaphore_mem>>) src(%arg7 : memref<8192xf32, #tpu.memory_space<vmem>>) dst(%dma_wait3A_223 : memref<8192xf32, #tpu.memory_space<hbm>>)
      tpu.yield
    }) : () -> ()
    %mul3A_177 = arith.constant 6 : i32
    %mul3A_178 = arith.muli %add3A, %mul3A_177 : i32
    %add3A_179 = arith.constant 5 : i32
    %add3A_180 = arith.addi %mul3A_178, %add3A_179 : i32
    %jit3A_181 = arith.constant 64 : i32
    %div3A_182 = arith.divsi %add3A_180, %jit3A_181 : i32
    %sign3A_183 = arith.constant 0 : i32
    %sign3A_184 = arith.cmpi sgt, %add3A_180, %sign3A_183 : i32
    %sign3A_185 = arith.extui %sign3A_184 : i1 to i32
    %sign3A_186 = arith.constant 0 : i32
    %sign3A_187 = arith.cmpi slt, %add3A_180, %sign3A_186 : i32
    %sign3A_188 = arith.extui %sign3A_187 : i1 to i32
    %sign3A_189 = arith.subi %sign3A_185, %sign3A_188 : i32
    %sign3A_190 = arith.constant 0 : i32
    %sign3A_191 = arith.cmpi sgt, %jit3A_181, %sign3A_190 : i32
    %sign3A_192 = arith.extui %sign3A_191 : i1 to i32
    %sign3A_193 = arith.constant 0 : i32
    %sign3A_194 = arith.cmpi slt, %jit3A_181, %sign3A_193 : i32
    %sign3A_195 = arith.extui %sign3A_194 : i1 to i32
    %sign3A_196 = arith.subi %sign3A_192, %sign3A_195 : i32
    %ne3A_197 = arith.cmpi ne, %sign3A_189, %sign3A_196 : i32
    %rem3A_198 = arith.remsi %add3A_180, %jit3A_181 : i32
    %ne3A_199 = arith.constant 0 : i32
    %ne3A_200 = arith.cmpi ne, %rem3A_198, %ne3A_199 : i32
    %and3A_201 = arith.andi %ne3A_197, %ne3A_200 : i1
    %sub3A_202 = arith.constant 1 : i32
    %sub3A_203 = arith.subi %div3A_182, %sub3A_202 : i32
    %select_n3A_204 = arith.select %and3A_201, %sub3A_203, %div3A_182 : i32
    %mul3A_205 = arith.constant 64 : i32
    %mul3A_206 = arith.muli %select_n3A_204, %mul3A_205 : i32
    %sub3A_207 = arith.subi %add3A_180, %mul3A_206 : i32
    "tpu.region"() ({
      %run_scoped3A = tpu.sem_alloc : memref<!tpu.dma_semaphore, #tpu.memory_space<semaphore_mem>>
      %dma_start3A = arith.constant 0 : i32
      %dma_start3A_214 = tpu.memref_slice %arg2[%select_n3A_204, %sub3A_207, %dma_start3A] : memref<3x64x100000xf32, #tpu.memory_space<hbm>> -> memref<1x1x100000xf32, #tpu.memory_space<hbm>>
      %dma_start3A_215 = tpu.memref_squeeze %dma_start3A_214 : memref<1x1x100000xf32, #tpu.memory_space<hbm>> -> memref<100000xf32, #tpu.memory_space<hbm>>
      %dma_start3A_216 = arith.constant 0 : i32
      %dma_start3A_217 = tpu.memref_slice %arg2[%select_n3A_204, %sub3A_207, %dma_start3A_216] : memref<3x64x100000xf32, #tpu.memory_space<hbm>> -> memref<1x1x100000xf32, #tpu.memory_space<hbm>>
      %dma_start3A_218 = tpu.memref_squeeze %dma_start3A_217 : memref<1x1x100000xf32, #tpu.memory_space<hbm>> -> memref<100000xf32, #tpu.memory_space<hbm>>
      tpu.enqueue_dma source(%dma_start3A_218 : memref<100000xf32, #tpu.memory_space<hbm>>) target(%arg6 : memref<100000xf32, #tpu.memory_space<vmem>>) target_semaphore(%run_scoped3A : memref<!tpu.dma_semaphore, #tpu.memory_space<semaphore_mem>>)
      %dma_wait3A = arith.constant 0 : i32
      %dma_wait3A_219 = tpu.memref_slice %arg2[%select_n3A_204, %sub3A_207, %dma_wait3A] : memref<3x64x100000xf32, #tpu.memory_space<hbm>> -> memref<1x1x100000xf32, #tpu.memory_space<hbm>>
      %dma_wait3A_220 = tpu.memref_squeeze %dma_wait3A_219 : memref<1x1x100000xf32, #tpu.memory_space<hbm>> -> memref<100000xf32, #tpu.memory_space<hbm>>
      %dma_wait3A_221 = arith.constant 0 : i32
      %dma_wait3A_222 = tpu.memref_slice %arg2[%select_n3A_204, %sub3A_207, %dma_wait3A_221] : memref<3x64x100000xf32, #tpu.memory_space<hbm>> -> memref<1x1x100000xf32, #tpu.memory_space<hbm>>
      %dma_wait3A_223 = tpu.memref_squeeze %dma_wait3A_222 : memref<1x1x100000xf32, #tpu.memory_space<hbm>> -> memref<100000xf32, #tpu.memory_space<hbm>>
      tpu.wait_dma2 semaphore(%run_scoped3A : memref<!tpu.dma_semaphore, #tpu.memory_space<semaphore_mem>>) src(%dma_wait3A_223 : memref<100000xf32, #tpu.memory_space<hbm>>) dst(%arg6 : memref<100000xf32, #tpu.memory_space<vmem>>)
      tpu.yield
    }) : () -> ()
    %parallel_loop3A_208 = arith.constant 0 : i32
    %parallel_loop3A_209 = arith.constant 512 : i32
    %parallel_loop3A_210 = arith.constant 1 : i32
    scf.for %parallel_loop3A_214 = %parallel_loop3A_208 to %parallel_loop3A_209 step %parallel_loop3A_210  : i32 {
      %parallel_loop3A_215 = arith.constant 16 : i32
      %parallel_loop3A_216 = arith.muli %parallel_loop3A_214, %parallel_loop3A_215 : i32
      %parallel_loop3A_217 = arith.constant 0 : i32
      %parallel_loop3A_218 = arith.addi %parallel_loop3A_217, %parallel_loop3A_216 : i32
      %parallel_loop3A_219 = arith.index_cast %parallel_loop3A_218 : i32 to index
      %parallel_loop3A_220 = tpu.vector_load %arg5[%parallel_loop3A_219] {strides = array<i32>} : memref<16384xi32, #tpu.memory_space<vmem>>, vector<16xi32>,
      %parallel_loop3A_221 = tpu.vector_load_idx %arg6[%parallel_loop3A_220] : memref<100000xf32, #tpu.memory_space<vmem>>[vector<16xi32>], vector<16xf32>,
      %parallel_loop3A_222 = arith.constant 16 : i32
      %parallel_loop3A_223 = arith.muli %parallel_loop3A_214, %parallel_loop3A_222 : i32
      %parallel_loop3A_224 = arith.index_cast %parallel_loop3A_223 : i32 to index
      %parallel_loop3A_225 = tpu.vector_load %arg7[%parallel_loop3A_224] {strides = array<i32>} : memref<8192xf32, #tpu.memory_space<vmem>>, vector<16xf32>,
      tpu.vector_store %arg7[%parallel_loop3A_224], %parallel_loop3A_221 {strides = array<i32>} : memref<8192xf32, #tpu.memory_space<vmem>>, vector<16xf32>,
    } {sc.loop_unroll_factor = 8 : i64, sc.parallel_access}
    "tpu.region"() ({
      %run_scoped3A = tpu.sem_alloc : memref<!tpu.dma_semaphore, #tpu.memory_space<semaphore_mem>>
      %dma_start3A = arith.constant 0 : i32
      %dma_start3A_214 = tpu.memref_slice %arg4[%add3A_180, %dma_start3A] : memref<192x16384xf32, #tpu.memory_space<hbm>> -> memref<1x8192xf32, #tpu.memory_space<hbm>>
      %dma_start3A_215 = tpu.memref_squeeze %dma_start3A_214 : memref<1x8192xf32, #tpu.memory_space<hbm>> -> memref<8192xf32, #tpu.memory_space<hbm>>
      %dma_start3A_216 = arith.constant 0 : i32
      %dma_start3A_217 = tpu.memref_slice %arg4[%add3A_180, %dma_start3A_216] : memref<192x16384xf32, #tpu.memory_space<hbm>> -> memref<1x8192xf32, #tpu.memory_space<hbm>>
      %dma_start3A_218 = tpu.memref_squeeze %dma_start3A_217 : memref<1x8192xf32, #tpu.memory_space<hbm>> -> memref<8192xf32, #tpu.memory_space<hbm>>
      tpu.enqueue_dma source(%arg7 : memref<8192xf32, #tpu.memory_space<vmem>>) target(%dma_start3A_218 : memref<8192xf32, #tpu.memory_space<hbm>>) target_semaphore(%run_scoped3A : memref<!tpu.dma_semaphore, #tpu.memory_space<semaphore_mem>>)
      %dma_wait3A = arith.constant 0 : i32
      %dma_wait3A_219 = tpu.memref_slice %arg4[%add3A_180, %dma_wait3A] : memref<192x16384xf32, #tpu.memory_space<hbm>> -> memref<1x8192xf32, #tpu.memory_space<hbm>>
      %dma_wait3A_220 = tpu.memref_squeeze %dma_wait3A_219 : memref<1x8192xf32, #tpu.memory_space<hbm>> -> memref<8192xf32, #tpu.memory_space<hbm>>
      %dma_wait3A_221 = arith.constant 0 : i32
      %dma_wait3A_222 = tpu.memref_slice %arg4[%add3A_180, %dma_wait3A_221] : memref<192x16384xf32, #tpu.memory_space<hbm>> -> memref<1x8192xf32, #tpu.memory_space<hbm>>
      %dma_wait3A_223 = tpu.memref_squeeze %dma_wait3A_222 : memref<1x8192xf32, #tpu.memory_space<hbm>> -> memref<8192xf32, #tpu.memory_space<hbm>>
      tpu.wait_dma2 semaphore(%run_scoped3A : memref<!tpu.dma_semaphore, #tpu.memory_space<semaphore_mem>>) src(%arg7 : memref<8192xf32, #tpu.memory_space<vmem>>) dst(%dma_wait3A_223 : memref<8192xf32, #tpu.memory_space<hbm>>)
      tpu.yield
    }) : () -> ()
    %parallel_loop3A_211 = arith.constant 0 : i32
    %parallel_loop3A_212 = arith.constant 512 : i32
    %parallel_loop3A_213 = arith.constant 1 : i32
    scf.for %parallel_loop3A_214 = %parallel_loop3A_211 to %parallel_loop3A_212 step %parallel_loop3A_213  : i32 {
      %parallel_loop3A_215 = arith.constant 16 : i32
      %parallel_loop3A_216 = arith.muli %parallel_loop3A_214, %parallel_loop3A_215 : i32
      %parallel_loop3A_217 = arith.constant 8192 : i32
      %parallel_loop3A_218 = arith.addi %parallel_loop3A_217, %parallel_loop3A_216 : i32
      %parallel_loop3A_219 = arith.index_cast %parallel_loop3A_218 : i32 to index
      %parallel_loop3A_220 = tpu.vector_load %arg5[%parallel_loop3A_219] {strides = array<i32>} : memref<16384xi32, #tpu.memory_space<vmem>>, vector<16xi32>,
      %parallel_loop3A_221 = tpu.vector_load_idx %arg6[%parallel_loop3A_220] : memref<100000xf32, #tpu.memory_space<vmem>>[vector<16xi32>], vector<16xf32>,
      %parallel_loop3A_222 = arith.constant 16 : i32
      %parallel_loop3A_223 = arith.muli %parallel_loop3A_214, %parallel_loop3A_222 : i32
      %parallel_loop3A_224 = arith.index_cast %parallel_loop3A_223 : i32 to index
      %parallel_loop3A_225 = tpu.vector_load %arg7[%parallel_loop3A_224] {strides = array<i32>} : memref<8192xf32, #tpu.memory_space<vmem>>, vector<16xf32>,
      tpu.vector_store %arg7[%parallel_loop3A_224], %parallel_loop3A_221 {strides = array<i32>} : memref<8192xf32, #tpu.memory_space<vmem>>, vector<16xf32>,
    } {sc.loop_unroll_factor = 8 : i64, sc.parallel_access}
    "tpu.region"() ({
      %run_scoped3A = tpu.sem_alloc : memref<!tpu.dma_semaphore, #tpu.memory_space<semaphore_mem>>
      %dma_start3A = arith.constant 8192 : i32
      %dma_start3A_214 = tpu.memref_slice %arg4[%add3A_180, %dma_start3A] : memref<192x16384xf32, #tpu.memory_space<hbm>> -> memref<1x8192xf32, #tpu.memory_space<hbm>>
      %dma_start3A_215 = tpu.memref_squeeze %dma_start3A_214 : memref<1x8192xf32, #tpu.memory_space<hbm>> -> memref<8192xf32, #tpu.memory_space<hbm>>
      %dma_start3A_216 = arith.constant 8192 : i32
      %dma_start3A_217 = tpu.memref_slice %arg4[%add3A_180, %dma_start3A_216] : memref<192x16384xf32, #tpu.memory_space<hbm>> -> memref<1x8192xf32, #tpu.memory_space<hbm>>
      %dma_start3A_218 = tpu.memref_squeeze %dma_start3A_217 : memref<1x8192xf32, #tpu.memory_space<hbm>> -> memref<8192xf32, #tpu.memory_space<hbm>>
      tpu.enqueue_dma source(%arg7 : memref<8192xf32, #tpu.memory_space<vmem>>) target(%dma_start3A_218 : memref<8192xf32, #tpu.memory_space<hbm>>) target_semaphore(%run_scoped3A : memref<!tpu.dma_semaphore, #tpu.memory_space<semaphore_mem>>)
      %dma_wait3A = arith.constant 8192 : i32
      %dma_wait3A_219 = tpu.memref_slice %arg4[%add3A_180, %dma_wait3A] : memref<192x16384xf32, #tpu.memory_space<hbm>> -> memref<1x8192xf32, #tpu.memory_space<hbm>>
      %dma_wait3A_220 = tpu.memref_squeeze %dma_wait3A_219 : memref<1x8192xf32, #tpu.memory_space<hbm>> -> memref<8192xf32, #tpu.memory_space<hbm>>
      %dma_wait3A_221 = arith.constant 8192 : i32
      %dma_wait3A_222 = tpu.memref_slice %arg4[%add3A_180, %dma_wait3A_221] : memref<192x16384xf32, #tpu.memory_space<hbm>> -> memref<1x8192xf32, #tpu.memory_space<hbm>>
      %dma_wait3A_223 = tpu.memref_squeeze %dma_wait3A_222 : memref<1x8192xf32, #tpu.memory_space<hbm>> -> memref<8192xf32, #tpu.memory_space<hbm>>
      tpu.wait_dma2 semaphore(%run_scoped3A : memref<!tpu.dma_semaphore, #tpu.memory_space<semaphore_mem>>) src(%arg7 : memref<8192xf32, #tpu.memory_space<vmem>>) dst(%dma_wait3A_223 : memref<8192xf32, #tpu.memory_space<hbm>>)
      tpu.yield
    }) : () -> ()
    return
  }
}

</mosaic_0001>

<sc_bundles>
// kernel: kernel.3.cloned.1.call-start
scs
__scs_entry_jumppad:
0x0: {  	(pc) =	sbr.rel $0x88, $3  }
0x1: {  	(tag) =	ssettag $0x0;
	lr =	simm.s32 $0x1  }
0x2: {  	[smem:$0x3F9F] =	sst lr;
	_ =	strace $0xD0000000  }
0x3: {  	_ = 	snop  }
0x4: {  	_ = 	snop  }
0x5: {  	_ = 	snop  }
0x6: {  	_ = 	snop  }
0x7: {  	_ = 	snop  }
__scs_overlays_trampoline_lowered:
0x8: {  	[smem:$0x3FAE] =	sst s0  }
0x9: {  	[smem:$0x3FAF] =	sst s1  }
0xa: {  	[smem:$0x3FB0] =	sst s2  }
0xb: {  	[smem:$0x3FB1] =	sst s3  }
0xc: {  	[smem:$0x3FB2] =	sst s4  }
0xd: {  	[smem:$0x3FB3] =	sst s5  }
0xe: {  	[smem:$0x3FB4] =	sst s6  }
0xf: {  	[smem:$0x3FB5] =	sst s7  }
0x10: {  	[smem:$0x3FB6] =	sst s8  }
0x11: {  	[smem:$0x3FB7] =	sst s9;
	s0 =	simm.s32 @!p0 $0x0  }
0x12: {  	s1 =	sld [smem:$0x3F9D];
	s0 =	simm.s32 @p0 $0x1  }
0x13: {  	[smem:$0x3FB8] =	sst s0;
	s0 =	simm.s32 @!p1 $0x0  }
0x14: {  	s2 =	sld [smem:$0x3F9C];
	s0 =	simm.s32 @p1 $0x1  }
0x15: {  	[smem:$0x3FB9] =	sst s0;
	s0 =	simm.s32 @!p2 $0x0  }
0x16: {  	s3 =	sld [smem:$0x3FDB];
	s0 =	simm.s32 @p2 $0x1  }
0x17: {  	s4 =	simm.s32 $0x1BF5;
	[smem:$0x3FBB] =	sst s0  }
0x18: {  	s0 =	sld [smem:$0x3F9E];
	_ =	swait.ge [sflag:s4], $0x0  }
0x19: {  	s7 =	sld [smem:$0x3F9F]  }
0x1a: {  	s8 =	sadd.s32 $0xFFFFE003, lr  }
0x1b: {  	s9 =	sadd.s32 $0xFFFFFEF7, lr;
	s5 =	simm.s32 $0xFFFFFFFF;
	p2 =	slt.u32 s8, $0xFFFFF086  }
0x1c: {  	p1 =	slt.u32 s9, $0xF7A;
	s5 =	simm.s32 @!p2 $0x0  }
0x1d: {  	s5 =	simm.s32 @p1 $0x1;
	p0 =	seq.s32 s7, s2  }
0x1e: {  	s7 =	smul.u32 @!p0 $0xF7A, s2;
	p2 =	seq.s32 @!p0 s5, $0x0  }
0x1f: {  	s9 =	smul.u32 $0xF7A, s1;
	s8 =	simm.s32 @!p0 $0x1BF5;
	p2 =	por !p2, p0  }
0x20: {  	[sflag:s8] =	ssyncset.s32 @!p0 $0xFFFFF086;
	s6 =	sadd.s32 @!p0 s3, s7;
	s7 =	simm.s32 @!p0 $0x108  }
0x21: {  	s3 =	sadd.s32 s3, s9;
	s6 =	sadd.s32 @!p0 $0x88, s6;
	s7 =	simm.s32 @p2 $0x1082  }
0x22: {  	[simem:s7], [sflag:s8] =	dma.local @!p0 [hbm:s6], $0xF7A  }
0x23: {  	s9 =	sor.u32 $0xD0000000, s2;
	s6 =	simm.s32 $0x108;
	_ =	swait.ge @!p0 [sflag:s8], $0x0  }
0x24: {  	s3 =	sadd.s32 $0x88, s3;
	s6 =	simm.s32 @!p1 $0x1082;
	[sflag:s4] =	ssyncset.s32 $0xFFFFF086  }
0x25: {  	[simem:s6], [sflag:s4] =	dma.local [hbm:s3], $0xF7A  }
0x26: {  	[smem:$0x3F9F] =	sst s1;
	(tag) =	ssettag s2;
	_ =	strace s9  }
0x27: {  	s1 =	sld [smem:$0x3FAF]  }
0x28: {  	s2 =	sld [smem:$0x3FB0]  }
0x29: {  	s4 =	sld [smem:$0x3FB2]  }
0x2a: {  	p0 =	seq.s32 s5, $0x0;
	s5 =	sld [smem:$0x3FB3]  }
0x2b: {  	s6 =	sld [smem:$0x3FB4]  }
0x2c: {  	s7 =	sld [smem:$0x3FB5]  }
0x2d: {  	s3 =	simm.s32 $0x108;
	s8 =	sld [smem:$0x3FB6]  }
0x2e: {  	s3 =	simm.s32 @!p0 $0x1082;
	s9 =	sld [smem:$0x3FB7]  }
0x2f: {  	lr =	sadd.s32 s0, s3;
	s0 =	sld [smem:$0x3FAE]  }
0x30: {  	s3 =	sld [smem:$0x3FB1]  }
0x31: {  	[smem:$0x3FBA] =	sst s10  }
0x32: {  	s10 =	sld [smem:$0x3FB8];
	_ =	sdelay $0x3  }
0x33: {  	p0 =	seq.s32 s10, $0x1;
	s10 =	sld [smem:$0x3FBA];
	_ =	sdelay $0x3  }
0x34: {  	[smem:$0x3FBA] =	sst s10  }
0x35: {  	s10 =	sld [smem:$0x3FB9];
	_ =	sdelay $0x3  }
0x36: {  	p1 =	seq.s32 s10, $0x1;
	s10 =	sld [smem:$0x3FBA];
	_ =	sdelay $0x3  }
0x37: {  	[smem:$0x3FBA] =	sst s10  }
0x38: {  	s10 =	sld [smem:$0x3FBB]  }
0x39: {  	_ = 	snop;
	(pc) =	sbr.ind lr, $3  }
0x3a: {  	_ = 	snop  }
0x3b: {  	_ = 	snop  }
0x3c: {  	p2 =	seq.s32 s10, $0x1;
	s10 =	sld [smem:$0x3FBA]  }
0x3d: {  	_ =	shalt  }
0x3e: {  	_ =	shalt  }
0x3f: {  	_ =	shalt  }
0x40: {  	_ =	shalt  }
0x41: {  	_ =	shalt  }
0x42: {  	_ =	shalt  }
0x43: {  	_ =	shalt  }
0x44: {  	_ =	shalt  }
0x45: {  	_ =	shalt  }
0x46: {  	_ =	shalt  }
0x47: {  	_ =	shalt  }
0x48: {  	_ =	shalt  }
0x49: {  	_ =	shalt  }
0x4a: {  	_ =	shalt  }
0x4b: {  	_ =	shalt  }
0x4c: {  	_ =	shalt  }
0x4d: {  	_ =	shalt  }
0x4e: {  	_ =	shalt  }
0x4f: {  	_ =	shalt  }
0x50: {  	_ =	shalt  }
0x51: {  	_ =	shalt  }
0x52: {  	_ =	shalt  }
0x53: {  	_ =	shalt  }
0x54: {  	_ =	shalt  }
0x55: {  	_ =	shalt  }
0x56: {  	_ =	shalt  }
0x57: {  	_ =	shalt  }
0x58: {  	_ =	shalt  }
0x59: {  	_ =	shalt  }
0x5a: {  	_ =	shalt  }
0x5b: {  	_ =	shalt  }
0x5c: {  	_ =	shalt  }
0x5d: {  	_ =	shalt  }
0x5e: {  	_ =	shalt  }
0x5f: {  	_ =	shalt  }
0x60: {  	_ =	shalt  }
0x61: {  	_ =	shalt  }
0x62: {  	_ =	shalt  }
0x63: {  	_ =	shalt  }
0x64: {  	_ =	shalt  }
0x65: {  	_ =	shalt  }
0x66: {  	_ =	shalt  }
0x67: {  	_ =	shalt  }
0x68: {  	_ =	shalt  }
0x69: {  	_ =	shalt  }
0x6a: {  	_ =	shalt  }
0x6b: {  	_ =	shalt  }
0x6c: {  	_ =	shalt  }
0x6d: {  	_ =	shalt  }
0x6e: {  	_ =	shalt  }
0x6f: {  	_ =	shalt  }
0x70: {  	_ =	shalt  }
0x71: {  	_ =	shalt  }
0x72: {  	_ =	shalt  }
0x73: {  	_ =	shalt  }
0x74: {  	_ =	shalt  }
0x75: {  	_ =	shalt  }
0x76: {  	_ =	shalt  }
0x77: {  	_ =	shalt  }
0x78: {  	_ =	shalt  }
0x79: {  	_ =	shalt  }
0x7a: {  	_ =	shalt  }
0x7b: {  	_ =	shalt  }
0x7c: {  	_ =	shalt  }
0x7d: {  	_ =	shalt  }
0x7e: {  	_ =	shalt  }
0x7f: {  	_ =	shalt  }
0x80: {  	_ =	shalt  }
0x81: {  	_ =	shalt  }
0x82: {  	_ =	shalt  }
0x83: {  	_ =	shalt  }
0x84: {  	_ =	shalt  }
0x85: {  	_ =	shalt  }
0x86: {  	_ =	shalt  }
0x87: {  	_ =	shalt  }
.Lfunc_end0:
.L_simem_size_0:
called_computation_lowered:
.L_overlay_start_0:
0x88: {  	s2 =	sld [smem:$0x3FD9]  }
0x89: {  	s3 =	sld [smem:$0x3FFE];
	_ =	sdelay $0x1  }
0x8a: {  	s1 =	srdreg.scid  }
0x8b: {  	s0 =	sand.u32 $0x1, s1  }
0x8c: {  	s18 =	sshll.u32 s0, $0xA;
	s2 =	sadd.s32 s3, s2  }
0x8d: {  	s2 =	sadd.s32 s2, s18  }
0x8e: {  	[smem:$0x3FC6] =	sst s2  }
0x8f: {  	_ = 	snop  }
0x90: {  	s2 =	sld [smem:$0x3FC9]  }
0x91: {  	s19 =	sld [smem:$0x3FC8]  }
0x92: {  	s4 =	sld [smem:$0x3FD0];
	(tm) =	ssettm $0x1  }
0x93: {  	s5 =	sld [smem:$0x3FFB];
	_ =	sdelay $0x3  }
0x94: {  	_ =	strace s5  }
0x95: {  	s5 =	sld [smem:$0x3FFC];
	_ =	sdelay $0x3  }
0x96: {  	_ =	strace s5  }
0x97: {  	s5 =	sld [smem:$0x3FFD];
	_ =	sdelay $0x3  }
0x98: {  	_ =	strace s5  }
0x99: {  	_ =	strace $0x8FFFFFFF  }
0x9a: {  	s20 =	sld [smem:$0x3FDB];
	_ =	sdelay $0x1  }
0x9b: {  	s6 =	simm.s32 $_scs_section_size  }
0x9c: {  	s7 =	simm.s32 $_size__tile_overlayer_lowered;
	s8 =	simm.s32 $_tile_overlayer_lowered  }
0x9d: {  	s23 =	simm.s32 $0x1BFF;
	s22 =	sshll.u32 s8, $0x1;
	s5 =	sadd.s32 s6, s20  }
0x9e: {  	s9 =	simm.s32 $0x0;
	s21 =	sshll.u32 s7, $0x1;
	s7 =	sadd.s32 s22, s5  }
0x9f: {  	[timem:s9], [sflag:s23] =	dma.local [hbm:s7], s21  }
0xa0: {  	_ =	swait.ge [sflag:s23], s21  }
0xa1: {  	s6 =	ssub.s32 $0x0, s21;
	[sflag:s23] =	ssyncset.done $0x0  }
0xa2: {  	[sflag:s23] =	ssyncadd.s32 s6;
	_ =	sdelay $0x1  }
0xa3: {  	s24 =	simm.s32 $0x1B8B  }
0xa4: {  	_ =	swait.ge [sflag:s24], $0x1  }
0xa5: {  	[sflag:s24] =	ssyncset.done $0x0  }
0xa6: {  	s25 =	simm.s32 $0x1B8E;
	[sflag:s24] =	ssyncadd.s32 $0xFFFFFFFF  }
0xa7: {  	s26 =	simm.s32 $execute0_lowered;
	[smem:$0x3FD2] =	sst s25  }
0xa8: {  	s6 =	sshll.u32 s26, $0x1;
	_ =	strace $0x80000046;
	[dreg:$0x1] =	wrdreg $0xFFFFFFFF  }
0xa9: {  	s28 =	simm.s32 $_size_execute0_lowered;
	s5 =	sadd.s32 s5, s6;
	[dreg:$0x0] =	wrdreg $0x0  }
0xaa: {  	s6 =	sshll.u32 s28, $0x1;
	[dreg:$0x2] =	wrdreg s5  }
0xab: {  	[dreg:$0x3] =	wrdreg s6  }
0xac: {  	[dreg:$0x4] =	wrdreg $0xC0  }
0xad: {  	_ =	task [dreg:s9], $0x5FFFF  }
0xae: {  	[dreg:$0x1] =	wrdreg $0xFFFFFFFF  }
0xaf: {  	[dreg:$0x0] =	wrdreg $0x60  }
0xb0: {  	[dreg:$0x2] =	wrdreg s2  }
0xb1: {  	[dreg:$0x3] =	wrdreg s19  }
0xb2: {  	[dreg:$0x4] =	wrdreg s4  }
0xb3: {  	[dreg:$0x5] =	wrdreg $0x9  }
0xb4: {  	_ =	task.clear_ibuf [dreg:s9], $0x6FFFF;
	_ =	strace $0x90000046  }
0xb5: {  	s29 =	simm.s32 $0x9;
	_ =	strace $0x80000048  }
0xb6: {  	_ =	swait.ge [sflag:s29], $0x1  }
0xb7: {  	[sflag:s29] =	ssyncadd.s32 $0xFFFFFFFF  }
0xb8: {  	_ =	strace $0x90000048  }
0xb9: {  	_ =	sfence  }
0xba: {  	s30 =	sld [smem:$0x0];
	_ =	sdelay $0x2  }
0xbb: {  	s31 =	sshll.u32 s1, $0xD;
	s1 =	sshrl.u32 s1, $0x2  }
0xbc: {  	s3 =	sand.u32 $0x4000, s31;
	s1 =	sadd.s32 s1, s30  }
0xbd: {  	s0 =	sor.u32 s3, s0;
	s1 =	sshll.u32 s1, $0x11  }
0xbe: {  	s0 =	sor.u32 s1, s0  }
0xbf: {  	s0 =	sadd.s32 $0x8F2B, s0  }
0xc0: {  	[sflag:s0] =	ssyncadd.remote.s32 $0x1  }
0xc1: {  	_ =	sfence.sel $0xFFFF  }
0xc2: {  	[dreg:$0x0] =	wrdreg $0xFFFFFFFF;
	(pc) =	sbr.abs _section_cstart, $3  }
0xc3: {  	[dreg:$0x1] =	wrdreg $0xFFFFFFFF  }
0xc4: {  	_ =	task.clear_ibuf [dreg:s9], $0x2FFFF;
	_ =	strace $0x9FFFFFFF  }
0xc5: {  	(tm) =	ssettm $0x7FFFFFFF  }
tec
execute0_lowered:
.L_overlay_start_1:
0x0: {  	(tag) =	ssettag $0x1  }
0x1: {  	s1 =	srdreg.scid;
	s0 =	stileid.u32  }
0x2: {  	s1 =	sand.u32 $0x1, s1;
	s2 =	sshll.u32 s0, $0x1  }
0x3: {  	s19 =	rddreg [dreg:$0x0];
	s4 =	sor.u32 s1, s2  }
0x4: {  	s20 =	rddreg [dreg:$0x2];
	s28 =	simm.s32 $0x1C700;
	s16 =	smul.u32 $0x6, s4  }
0x5: {  	s29 =	simm.s32 $0x0;
	s1 =	ssub.s32 $0x2, s1;
	s7 =	smul.u32 $0x300, s4  }
0x6: {  	s21 =	sadd.s32 $0x2000, s20;
	s4 =	smul.u32 $0x18000, s4;
	s11 =	sshrl.u32 s1, $0x1  }
0x7: {  	s2 =	rddreg [dreg:$0x1];
	s22 =	ssub.s32 s1, s11;
	s3 =	sshrl.u32 s16, $0x6  }
0x8: {  	s5 =	sshrl.u32 s16, $0x3;
	s30 =	sand.u32 $0x300, s7;
	s31 =	sand.u32 $0x3E0000, s4  }
0x9: {  	s10 =	sadd.s32 $0x2, s16;
	s22 =	smax.u32 s22, $0x1;
	s6 =	smul.u32 $0x61C000, s3  }
0xa: {  	s26 =	sand.u32 $0x7, s5;
	s3 =	simm.s32 $0x0;
	s9 =	sor.u32 s30, s31  }
0xb: {  	s13 =	sor.u32 $0x80, s30;
	s15 =	sshrl.u32 s10, $0x6;
	s11 =	sshrl.u32 s10, $0x3  }
0xc: {  	s23 =	sshll.u32 s10, $0x7;
	s10 =	sshll.u32 s10, $0xE;
	s5 =	smul.u32 $0xC3800, s26  }
0xd: {  	[smem:$0x7FF] =	sst s3;
	s12 =	sshrl.u32 s9, $0x3;
	s9 =	sor.u32 s31, s13  }
0xe: {  	s17 =	sand.u32 $0x7, s11;
	s24 =	sand.u32 $0x300, s23;
	_ =	strace $0x80000047  }
0xf: {  	s18 =	sshrl.u32 s9, $0x3;
	s11 =	smul.u32 $0xC3800, s17;
	s8 =	sadd.s32 s6, s5  }
0x10: {  	s6 =	sadd.s32 s12, s21;
	s9 =	sadd.s32 s18, s21;
	s5 =	sor.u32 s30, s8  }
0x11: {  	s14 =	sor.u32 s13, s8;
	s8 =	sadd.s32 s20, s18;
	s13 =	sadd.s32 $0x3, s16  }
0x12: {  	s5 =	sshrl.u32 s5, $0x3;
	s1 =	sshrl.u32 s14, $0x3;
	s25 =	sshrl.u32 s13, $0x6  }
0x13: {  	s14 =	sshrl.u32 s13, $0x3;
	s4 =	sadd.s32 s19, s5;
	s5 =	sadd.s32 s20, s12  }
0x14: {  	s12 =	smul.u32 $0x61C000, s15;
	s7 =	sadd.s32 s19, s1;
	s14 =	sand.u32 $0x7, s14  }
0x15: {  	s1 =	sor.u32 s23, s10;
	s15 =	sshll.u32 s13, $0x7;
	s13 =	sshll.u32 s13, $0xE  }
0x16: {  	s14 =	smul.u32 $0xC3800, s14;
	s1 =	sand.u32 $0x7FFE0300, s1;
	s17 =	sand.u32 $0x380, s15  }
0x17: {  	s13 =	sor.u32 s15, s13;
	s11 =	sadd.s32 s12, s11;
	s12 =	smul.u32 $0x61C000, s25  }
0x18: {  	s1 =	sshrl.u32 s1, $0x3;
	s18 =	sand.u32 $0x7FFE0380, s13;
	s11 =	sor.u32 s24, s11  }
0x19: {  	s18 =	sshrl.u32 s18, $0x3;
	s11 =	sshrl.u32 s11, $0x3;
	s14 =	sadd.s32 s12, s14  }
0x1a: {  	s12 =	sadd.s32 s1, s21;
	s10 =	sadd.s32 s19, s11;
	s11 =	sadd.s32 s20, s1  }
0x1b: {  	s26 =	sor.u32 s17, s14;
	s17 =	sadd.s32 $0x4, s16;
	s14 =	sadd.s32 s20, s18  }
0x1c: {  	s1 =	sshrl.u32 s26, $0x3;
	s30 =	sshrl.u32 s17, $0x6;
	s31 =	sshrl.u32 s17, $0x3  }
0x1d: {  	s23 =	smul.u32 $0x61C000, s30;
	s15 =	sand.u32 $0x7, s31;
	s13 =	sadd.s32 s19, s1  }
0x1e: {  	s1 =	sshll.u32 s17, $0x7;
	s17 =	sshll.u32 s17, $0xE;
	s24 =	smul.u32 $0xC3800, s15  }
0x1f: {  	s15 =	sadd.s32 s18, s21;
	s25 =	sand.u32 $0x300, s1;
	s1 =	sor.u32 s1, s17  }
0x20: {  	s1 =	sand.u32 $0x7FFE0300, s1;
	s18 =	sadd.s32 s23, s24;
	s24 =	sadd.s32 $0x5, s16  }
0x21: {  	s1 =	sshrl.u32 s1, $0x3;
	s30 =	sshrl.u32 s24, $0x6;
	s31 =	sshrl.u32 s24, $0x3  }
0x22: {  	s26 =	sor.u32 s25, s18;
	s18 =	smul.u32 $0x61C000, s30;
	s23 =	sand.u32 $0x7, s31  }
0x23: {  	s25 =	sshll.u32 s24, $0x7;
	s16 =	sshrl.u32 s26, $0x3;
	s23 =	smul.u32 $0xC3800, s23  }
0x24: {  	s24 =	sshll.u32 s24, $0xE;
	s26 =	sand.u32 $0x380, s25;
	s16 =	sadd.s32 s19, s16  }
0x25: {  	s17 =	sadd.s32 s18, s23;
	s23 =	sor.u32 s25, s24;
	s24 =	simm.s32 $0x80  }
0x26: {  	s25 =	simm.s32 $0x400;
	s18 =	sor.u32 s26, s17;
	s17 =	sadd.s32 s20, s1  }
0x27: {  	s23 =	sand.u32 $0x7FFE0380, s23;
	s26 =	simm.s32 $0x4000;
	s30 =	sshrl.u32 s18, $0x3  }
0x28: {  	s18 =	sadd.s32 s1, s21;
	s31 =	sshrl.u32 s23, $0x3;
	s23 =	simm.s32 $0x1  }
0x29: {  	s19 =	sadd.s32 s19, s30;
	s20 =	sadd.s32 s20, s31;
	s21 =	sadd.s32 s31, s21  }
.LBB2_1:
0x2a: {  	[tilespmem:s3], [sflag:$0x1] =	stream.linear.gather [hbm4b:s2+s3], $0x4000, $0x38;
	[tilespmem:$0x1E700] =	vst v63  }
0x2b: {  	_ =	swait.ge [sflag:s23], $0x4000  }
0x2c: {  	[sflag:s23] =	ssyncset.done $0x0  }
0x2d: {  	[sflag:s23] =	ssyncadd.s32 $0xFFFFC000  }
0x2e: {  	[tilespmem:s26], [sflag:$0x1] =	stream.strided.gather [hbm4b:s4+s24], $0x18700, s25, s24, $0x38;
	[tilespmem:$0x1E700] =	vst v63  }
0x2f: {  	_ =	swait.ge [sflag:s23], $0x18700  }
0x30: {  	[sflag:s23] =	ssyncset.done $0x0  }
0x31: {  	s1 =	simm.s32 $0x40;
	[sflag:s23] =	ssyncadd.s32 $0xFFFE7900  }
0x32: {  	v0 =	vld [tilespmem:s1+$0x30]  }
0x33: {  	v1 =	vld [tilespmem:s1+$0xFFFFFFD0]  }
0x34: {  	v2 =	vld [tilespmem:s1+$0xFFFFFFE0]  }
0x35: {  	v3 =	vld [tilespmem:s1+$0xFFFFFFF0]  }
0x36: {  	v4 =	vld [tilespmem:s1+$0x0]  }
0x37: {  	v6 =	vld [tilespmem:s1+$0x10]  }
0x38: {  	v7 =	vld [tilespmem:s1+$0x20]  }
0x39: {  	v8 =	vld [tilespmem:s1+$0xFFFFFFC0]  }
0x3a: {  	v9 =	vld.idx.msk [tilespmem:v0+s26+$0x0], $0xffff  }
0x3b: {  	v10 =	vld.idx.msk [tilespmem:v1+s26+$0x0], $0xffff  }
0x3c: {  	v5 =	vld.idx.msk [tilespmem:v2+s26+$0x0], $0xffff  }
0x3d: {  	v3 =	vld.idx.msk [tilespmem:v3+s26+$0x0], $0xffff  }
0x3e: {  	v0 =	vld.idx.msk [tilespmem:v4+s26+$0x0], $0xffff  }
0x3f: {  	s30 =	simm.s32 $0x1C740;
	v1 =	vld.idx.msk [tilespmem:v6+s26+$0x0], $0xffff  }
0x40: {  	v2 =	vld.idx.msk [tilespmem:v7+s26+$0x0], $0xffff;
	[tilespmem:s30+$0x30] =	vst v9  }
0x41: {  	s31 =	simm.s32 $0x0;
	s1 =	simm.s32 $0xC0;
	v4 =	vld.idx.msk [tilespmem:v8+s26+$0x0], $0xffff;
	[tilespmem:s30+$0xFFFFFFD0] =	vst v10  }
.LBB2_2:
0x42: {  	v6 =	vld [tilespmem:s1+$0x30];
	s31 =	sadd.s32 $0x8, s31;
	[tilespmem:s30+$0xFFFFFFE0] =	vst v5  }
0x43: {  	v5 =	vld [tilespmem:s1+$0xFFFFFFD0];
	p0 =	slt.u32 s31, $0x1F8;
	[tilespmem:s30+$0xFFFFFFF0] =	vst v3  }
0x44: {  	v3 =	vld [tilespmem:s1+$0xFFFFFFE0];
	[tilespmem:s30+$0x0] =	vst v0  }
0x45: {  	v0 =	vld [tilespmem:s1+$0xFFFFFFF0];
	[tilespmem:s30+$0x10] =	vst v1  }
0x46: {  	v1 =	vld [tilespmem:s1+$0x0];
	[tilespmem:s30+$0x20] =	vst v2  }
0x47: {  	v2 =	vld [tilespmem:s1+$0x10];
	[tilespmem:s30+$0xFFFFFFC0] =	vst v4  }
0x48: {  	v4 =	vld [tilespmem:s1+$0x20]  }
0x49: {  	v7 =	vld [tilespmem:s1+$0xFFFFFFC0]  }
0x4a: {  	v6 =	vld.idx.msk [tilespmem:v6+s26+$0x0], $0xffff  }
0x4b: {  	v8 =	vld.idx.msk [tilespmem:v5+s26+$0x0], $0xffff  }
0x4c: {  	v5 =	vld.idx.msk [tilespmem:v3+s26+$0x0], $0xffff  }
.Ltmp0:
0x4d: {  	v3 =	vld.idx.msk [tilespmem:v0+s26+$0x0], $0xffff;
	(pc) =	sbr.rel @p0 .LBB2_2-.Ltmp0, $4  }
0x4e: {  	v0 =	vld.idx.msk [tilespmem:v1+s26+$0x0], $0xffff  }
0x4f: {  	s30 =	sadd.s32 $0x80, s30;
	v1 =	vld.idx.msk [tilespmem:v2+s26+$0x0], $0xffff  }
0x50: {  	v2 =	vld.idx.msk [tilespmem:v4+s26+$0x0], $0xffff;
	[tilespmem:s30+$0x30] =	vst v6  }
0x51: {  	s1 =	sadd.s32 $0x80, s1;
	v4 =	vld.idx.msk [tilespmem:v7+s26+$0x0], $0xffff;
	[tilespmem:s30+$0xFFFFFFD0] =	vst v8  }
0x52: {  	[tilespmem:s30+$0xFFFFFFE0] =	vst v5  }
0x53: {  	[tilespmem:s30+$0xFFFFFFF0] =	vst v3  }
0x54: {  	[tilespmem:s30+$0x0] =	vst v0  }
0x55: {  	[tilespmem:s30+$0x10] =	vst v1  }
0x56: {  	[tilespmem:s30+$0x20] =	vst v2  }
0x57: {  	[tilespmem:s30+$0xFFFFFFC0] =	vst v4  }
0x58: {  	[hbm4b:s5+s24] =	stream.strided.scatter [tilespmem:s28], [sflag:$0x1], $0x2000, s25, s24, $0x38;
	[tilespmem:$0x1E700] =	vst v63  }
0x59: {  	_ =	swait.ge [sflag:s23], $0x2000  }
0x5a: {  	[sflag:s23] =	ssyncset.done $0x0  }
0x5b: {  	s1 =	simm.s32 $0x2070;
	[sflag:s23] =	ssyncadd.s32 $0xFFFFE000  }
0x5c: {  	v0 =	vld [tilespmem:s1+$0x0]  }
0x5d: {  	v1 =	vld [tilespmem:s1+$0xFFFFFFA0]  }
0x5e: {  	v2 =	vld [tilespmem:s1+$0xFFFFFFB0]  }
0x5f: {  	v3 =	vld [tilespmem:s1+$0xFFFFFFC0]  }
0x60: {  	v4 =	vld [tilespmem:s1+$0xFFFFFFD0]  }
0x61: {  	v6 =	vld [tilespmem:s1+$0xFFFFFFE0]  }
0x62: {  	v7 =	vld [tilespmem:s1+$0xFFFFFFF0]  }
0x63: {  	v8 =	vld [tilespmem:s1+$0xFFFFFF90]  }
0x64: {  	v9 =	vld.idx.msk [tilespmem:v0+s26+$0x0], $0xffff  }
0x65: {  	v10 =	vld.idx.msk [tilespmem:v1+s26+$0x0], $0xffff  }
0x66: {  	v5 =	vld.idx.msk [tilespmem:v2+s26+$0x0], $0xffff  }
0x67: {  	v3 =	vld.idx.msk [tilespmem:v3+s26+$0x0], $0xffff  }
0x68: {  	v0 =	vld.idx.msk [tilespmem:v4+s26+$0x0], $0xffff  }
0x69: {  	s30 =	simm.s32 $0x1C740;
	v1 =	vld.idx.msk [tilespmem:v6+s26+$0x0], $0xffff  }
0x6a: {  	v2 =	vld.idx.msk [tilespmem:v7+s26+$0x0], $0xffff;
	[tilespmem:s30+$0x30] =	vst v9  }
0x6b: {  	s31 =	simm.s32 $0x0;
	s1 =	simm.s32 $0x20F0;
	v4 =	vld.idx.msk [tilespmem:v8+s26+$0x0], $0xffff;
	[tilespmem:s30+$0xFFFFFFD0] =	vst v10  }
.LBB2_4:
0x6c: {  	v6 =	vld [tilespmem:s1+$0x0];
	s31 =	sadd.s32 $0x8, s31;
	[tilespmem:s30+$0xFFFFFFE0] =	vst v5  }
0x6d: {  	v5 =	vld [tilespmem:s1+$0xFFFFFFA0];
	p0 =	slt.u32 s31, $0x1F8;
	[tilespmem:s30+$0xFFFFFFF0] =	vst v3  }
0x6e: {  	v3 =	vld [tilespmem:s1+$0xFFFFFFB0];
	[tilespmem:s30+$0x0] =	vst v0  }
0x6f: {  	v0 =	vld [tilespmem:s1+$0xFFFFFFC0];
	[tilespmem:s30+$0x10] =	vst v1  }
0x70: {  	v1 =	vld [tilespmem:s1+$0xFFFFFFD0];
	[tilespmem:s30+$0x20] =	vst v2  }
0x71: {  	v2 =	vld [tilespmem:s1+$0xFFFFFFE0];
	[tilespmem:s30+$0xFFFFFFC0] =	vst v4  }
0x72: {  	v4 =	vld [tilespmem:s1+$0xFFFFFFF0]  }
0x73: {  	v7 =	vld [tilespmem:s1+$0xFFFFFF90]  }
0x74: {  	v6 =	vld.idx.msk [tilespmem:v6+s26+$0x0], $0xffff  }
0x75: {  	v8 =	vld.idx.msk [tilespmem:v5+s26+$0x0], $0xffff  }
0x76: {  	v5 =	vld.idx.msk [tilespmem:v3+s26+$0x0], $0xffff  }
.Ltmp1:
0x77: {  	v3 =	vld.idx.msk [tilespmem:v0+s26+$0x0], $0xffff;
	(pc) =	sbr.rel @p0 .LBB2_4-.Ltmp1, $4  }
0x78: {  	v0 =	vld.idx.msk [tilespmem:v1+s26+$0x0], $0xffff  }
0x79: {  	s30 =	sadd.s32 $0x80, s30;
	v1 =	vld.idx.msk [tilespmem:v2+s26+$0x0], $0xffff  }
0x7a: {  	v2 =	vld.idx.msk [tilespmem:v4+s26+$0x0], $0xffff;
	[tilespmem:s30+$0x30] =	vst v6  }
0x7b: {  	s1 =	sadd.s32 $0x80, s1;
	v4 =	vld.idx.msk [tilespmem:v7+s26+$0x0], $0xffff;
	[tilespmem:s30+$0xFFFFFFD0] =	vst v8  }
0x7c: {  	[tilespmem:s30+$0xFFFFFFE0] =	vst v5  }
0x7d: {  	[tilespmem:s30+$0xFFFFFFF0] =	vst v3  }
0x7e: {  	[tilespmem:s30+$0x0] =	vst v0  }
0x7f: {  	[tilespmem:s30+$0x10] =	vst v1  }
0x80: {  	[tilespmem:s30+$0x20] =	vst v2  }
0x81: {  	[tilespmem:s30+$0xFFFFFFC0] =	vst v4  }
0x82: {  	[hbm4b:s6+s24] =	stream.strided.scatter [tilespmem:s28], [sflag:$0x1], $0x2000, s25, s24, $0x38;
	[tilespmem:$0x1E700] =	vst v63  }
0x83: {  	_ =	swait.ge [sflag:s23], $0x2000  }
0x84: {  	[sflag:s23] =	ssyncset.done $0x0  }
0x85: {  	[sflag:s23] =	ssyncadd.s32 $0xFFFFE000  }
0x86: {  	[tilespmem:s26], [sflag:$0x1] =	stream.strided.gather [hbm4b:s7+s24], $0x18700, s25, s24, $0x38;
	[tilespmem:$0x1E700] =	vst v63  }
0x87: {  	_ =	swait.ge [sflag:s23], $0x18700  }
0x88: {  	[sflag:s23] =	ssyncset.done $0x0  }
0x89: {  	s1 =	simm.s32 $0x40;
	[sflag:s23] =	ssyncadd.s32 $0xFFFE7900  }
0x8a: {  	v0 =	vld [tilespmem:s1+$0x30]  }
0x8b: {  	v1 =	vld [tilespmem:s1+$0xFFFFFFD0]  }
0x8c: {  	v2 =	vld [tilespmem:s1+$0xFFFFFFE0]  }
0x8d: {  	v3 =	vld [tilespmem:s1+$0xFFFFFFF0]  }
0x8e: {  	v4 =	vld [tilespmem:s1+$0x0]  }
0x8f: {  	v6 =	vld [tilespmem:s1+$0x10]  }
0x90: {  	v7 =	vld [tilespmem:s1+$0x20]  }
0x91: {  	v8 =	vld [tilespmem:s1+$0xFFFFFFC0]  }
0x92: {  	v9 =	vld.idx.msk [tilespmem:v0+s26+$0x0], $0xffff  }
0x93: {  	v10 =	vld.idx.msk [tilespmem:v1+s26+$0x0], $0xffff  }
0x94: {  	v5 =	vld.idx.msk [tilespmem:v2+s26+$0x0], $0xffff  }
0x95: {  	v3 =	vld.idx.msk [tilespmem:v3+s26+$0x0], $0xffff  }
0x96: {  	v0 =	vld.idx.msk [tilespmem:v4+s26+$0x0], $0xffff  }
0x97: {  	s30 =	simm.s32 $0x1C740;
	v1 =	vld.idx.msk [tilespmem:v6+s26+$0x0], $0xffff  }
0x98: {  	v2 =	vld.idx.msk [tilespmem:v7+s26+$0x0], $0xffff;
	[tilespmem:s30+$0x30] =	vst v9  }
0x99: {  	s31 =	simm.s32 $0x0;
	s1 =	simm.s32 $0xC0;
	v4 =	vld.idx.msk [tilespmem:v8+s26+$0x0], $0xffff;
	[tilespmem:s30+$0xFFFFFFD0] =	vst v10  }
.LBB2_6:
0x9a: {  	v6 =	vld [tilespmem:s1+$0x30];
	s31 =	sadd.s32 $0x8, s31;
	[tilespmem:s30+$0xFFFFFFE0] =	vst v5  }
0x9b: {  	v5 =	vld [tilespmem:s1+$0xFFFFFFD0];
	p0 =	slt.u32 s31, $0x1F8;
	[tilespmem:s30+$0xFFFFFFF0] =	vst v3  }
0x9c: {  	v3 =	vld [tilespmem:s1+$0xFFFFFFE0];
	[tilespmem:s30+$0x0] =	vst v0  }
0x9d: {  	v0 =	vld [tilespmem:s1+$0xFFFFFFF0];
	[tilespmem:s30+$0x10] =	vst v1  }
0x9e: {  	v1 =	vld [tilespmem:s1+$0x0];
	[tilespmem:s30+$0x20] =	vst v2  }
0x9f: {  	v2 =	vld [tilespmem:s1+$0x10];
	[tilespmem:s30+$0xFFFFFFC0] =	vst v4  }
0xa0: {  	v4 =	vld [tilespmem:s1+$0x20]  }
0xa1: {  	v7 =	vld [tilespmem:s1+$0xFFFFFFC0]  }
0xa2: {  	v6 =	vld.idx.msk [tilespmem:v6+s26+$0x0], $0xffff  }
0xa3: {  	v8 =	vld.idx.msk [tilespmem:v5+s26+$0x0], $0xffff  }
0xa4: {  	v5 =	vld.idx.msk [tilespmem:v3+s26+$0x0], $0xffff  }
.Ltmp2:
0xa5: {  	v3 =	vld.idx.msk [tilespmem:v0+s26+$0x0], $0xffff;
	(pc) =	sbr.rel @p0 .LBB2_6-.Ltmp2, $4  }
0xa6: {  	v0 =	vld.idx.msk [tilespmem:v1+s26+$0x0], $0xffff  }
0xa7: {  	s30 =	sadd.s32 $0x80, s30;
	v1 =	vld.idx.msk [tilespmem:v2+s26+$0x0], $0xffff  }
0xa8: {  	v2 =	vld.idx.msk [tilespmem:v4+s26+$0x0], $0xffff;
	[tilespmem:s30+$0x30] =	vst v6  }
0xa9: {  	s1 =	sadd.s32 $0x80, s1;
	v4 =	vld.idx.msk [tilespmem:v7+s26+$0x0], $0xffff;
	[tilespmem:s30+$0xFFFFFFD0] =	vst v8  }
0xaa: {  	[tilespmem:s30+$0xFFFFFFE0] =	vst v5  }
0xab: {  	[tilespmem:s30+$0xFFFFFFF0] =	vst v3  }
0xac: {  	[tilespmem:s30+$0x0] =	vst v0  }
0xad: {  	[tilespmem:s30+$0x10] =	vst v1  }
0xae: {  	[tilespmem:s30+$0x20] =	vst v2  }
0xaf: {  	[tilespmem:s30+$0xFFFFFFC0] =	vst v4  }
0xb0: {  	[hbm4b:s8+s24] =	stream.strided.scatter [tilespmem:s28], [sflag:$0x1], $0x2000, s25, s24, $0x38;
	[tilespmem:$0x1E700] =	vst v63  }
0xb1: {  	_ =	swait.ge [sflag:s23], $0x2000  }
0xb2: {  	[sflag:s23] =	ssyncset.done $0x0  }
0xb3: {  	s1 =	simm.s32 $0x2070;
	[sflag:s23] =	ssyncadd.s32 $0xFFFFE000  }
0xb4: {  	v0 =	vld [tilespmem:s1+$0x0]  }
0xb5: {  	v1 =	vld [tilespmem:s1+$0xFFFFFFA0]  }
0xb6: {  	v2 =	vld [tilespmem:s1+$0xFFFFFFB0]  }
0xb7: {  	v3 =	vld [tilespmem:s1+$0xFFFFFFC0]  }
0xb8: {  	v4 =	vld [tilespmem:s1+$0xFFFFFFD0]  }
0xb9: {  	v6 =	vld [tilespmem:s1+$0xFFFFFFE0]  }
0xba: {  	v7 =	vld [tilespmem:s1+$0xFFFFFFF0]  }
0xbb: {  	v8 =	vld [tilespmem:s1+$0xFFFFFF90]  }
0xbc: {  	v9 =	vld.idx.msk [tilespmem:v0+s26+$0x0], $0xffff  }
0xbd: {  	v10 =	vld.idx.msk [tilespmem:v1+s26+$0x0], $0xffff  }
0xbe: {  	v5 =	vld.idx.msk [tilespmem:v2+s26+$0x0], $0xffff  }
0xbf: {  	v3 =	vld.idx.msk [tilespmem:v3+s26+$0x0], $0xffff  }
0xc0: {  	v0 =	vld.idx.msk [tilespmem:v4+s26+$0x0], $0xffff  }
0xc1: {  	s30 =	simm.s32 $0x1C740;
	v1 =	vld.idx.msk [tilespmem:v6+s26+$0x0], $0xffff  }
0xc2: {  	v2 =	vld.idx.msk [tilespmem:v7+s26+$0x0], $0xffff;
	[tilespmem:s30+$0x30] =	vst v9  }
0xc3: {  	s31 =	simm.s32 $0x0;
	s1 =	simm.s32 $0x20F0;
	v4 =	vld.idx.msk [tilespmem:v8+s26+$0x0], $0xffff;
	[tilespmem:s30+$0xFFFFFFD0] =	vst v10  }
.LBB2_8:
0xc4: {  	v6 =	vld [tilespmem:s1+$0x0];
	s31 =	sadd.s32 $0x8, s31;
	[tilespmem:s30+$0xFFFFFFE0] =	vst v5  }
0xc5: {  	v5 =	vld [tilespmem:s1+$0xFFFFFFA0];
	p0 =	slt.u32 s31, $0x1F8;
	[tilespmem:s30+$0xFFFFFFF0] =	vst v3  }
0xc6: {  	v3 =	vld [tilespmem:s1+$0xFFFFFFB0];
	[tilespmem:s30+$0x0] =	vst v0  }
0xc7: {  	v0 =	vld [tilespmem:s1+$0xFFFFFFC0];
	[tilespmem:s30+$0x10] =	vst v1  }
0xc8: {  	v1 =	vld [tilespmem:s1+$0xFFFFFFD0];
	[tilespmem:s30+$0x20] =	vst v2  }
0xc9: {  	v2 =	vld [tilespmem:s1+$0xFFFFFFE0];
	[tilespmem:s30+$0xFFFFFFC0] =	vst v4  }
0xca: {  	v4 =	vld [tilespmem:s1+$0xFFFFFFF0]  }
0xcb: {  	v7 =	vld [tilespmem:s1+$0xFFFFFF90]  }
0xcc: {  	v6 =	vld.idx.msk [tilespmem:v6+s26+$0x0], $0xffff  }
0xcd: {  	v8 =	vld.idx.msk [tilespmem:v5+s26+$0x0], $0xffff  }
0xce: {  	v5 =	vld.idx.msk [tilespmem:v3+s26+$0x0], $0xffff  }
.Ltmp3:
0xcf: {  	v3 =	vld.idx.msk [tilespmem:v0+s26+$0x0], $0xffff;
	(pc) =	sbr.rel @p0 .LBB2_8-.Ltmp3, $4  }
0xd0: {  	v0 =	vld.idx.msk [tilespmem:v1+s26+$0x0], $0xffff  }
0xd1: {  	s30 =	sadd.s32 $0x80, s30;
	v1 =	vld.idx.msk [tilespmem:v2+s26+$0x0], $0xffff  }
0xd2: {  	v2 =	vld.idx.msk [tilespmem:v4+s26+$0x0], $0xffff;
	[tilespmem:s30+$0x30] =	vst v6  }
0xd3: {  	s1 =	sadd.s32 $0x80, s1;
	v4 =	vld.idx.msk [tilespmem:v7+s26+$0x0], $0xffff;
	[tilespmem:s30+$0xFFFFFFD0] =	vst v8  }
0xd4: {  	[tilespmem:s30+$0xFFFFFFE0] =	vst v5  }
0xd5: {  	[tilespmem:s30+$0xFFFFFFF0] =	vst v3  }
0xd6: {  	[tilespmem:s30+$0x0] =	vst v0  }
0xd7: {  	[tilespmem:s30+$0x10] =	vst v1  }
0xd8: {  	[tilespmem:s30+$0x20] =	vst v2  }
0xd9: {  	[tilespmem:s30+$0xFFFFFFC0] =	vst v4  }
0xda: {  	[hbm4b:s9+s24] =	stream.strided.scatter [tilespmem:s28], [sflag:$0x1], $0x2000, s25, s24, $0x38;
	[tilespmem:$0x1E700] =	vst v63  }
0xdb: {  	_ =	swait.ge [sflag:s23], $0x2000  }
0xdc: {  	[sflag:s23] =	ssyncset.done $0x0  }
0xdd: {  	[sflag:s23] =	ssyncadd.s32 $0xFFFFE000  }
0xde: {  	[tilespmem:s26], [sflag:$0x1] =	stream.strided.gather [hbm4b:s10+s24], $0x18700, s25, s24, $0x38;
	[tilespmem:$0x1E700] =	vst v63  }
0xdf: {  	_ =	swait.ge [sflag:s23], $0x18700  }
0xe0: {  	[sflag:s23] =	ssyncset.done $0x0  }
0xe1: {  	s1 =	simm.s32 $0x40;
	[sflag:s23] =	ssyncadd.s32 $0xFFFE7900  }
0xe2: {  	v0 =	vld [tilespmem:s1+$0x30]  }
0xe3: {  	v1 =	vld [tilespmem:s1+$0xFFFFFFD0]  }
0xe4: {  	v2 =	vld [tilespmem:s1+$0xFFFFFFE0]  }
0xe5: {  	v3 =	vld [tilespmem:s1+$0xFFFFFFF0]  }
0xe6: {  	v4 =	vld [tilespmem:s1+$0x0]  }
0xe7: {  	v6 =	vld [tilespmem:s1+$0x10]  }
0xe8: {  	v7 =	vld [tilespmem:s1+$0x20]  }
0xe9: {  	v8 =	vld [tilespmem:s1+$0xFFFFFFC0]  }
0xea: {  	v9 =	vld.idx.msk [tilespmem:v0+s26+$0x0], $0xffff  }
0xeb: {  	v10 =	vld.idx.msk [tilespmem:v1+s26+$0x0], $0xffff  }
0xec: {  	v5 =	vld.idx.msk [tilespmem:v2+s26+$0x0], $0xffff  }
0xed: {  	v3 =	vld.idx.msk [tilespmem:v3+s26+$0x0], $0xffff  }
0xee: {  	v0 =	vld.idx.msk [tilespmem:v4+s26+$0x0], $0xffff  }
0xef: {  	s30 =	simm.s32 $0x1C740;
	v1 =	vld.idx.msk [tilespmem:v6+s26+$0x0], $0xffff  }
0xf0: {  	v2 =	vld.idx.msk [tilespmem:v7+s26+$0x0], $0xffff;
	[tilespmem:s30+$0x30] =	vst v9  }
0xf1: {  	s31 =	simm.s32 $0x0;
	s1 =	simm.s32 $0xC0;
	v4 =	vld.idx.msk [tilespmem:v8+s26+$0x0], $0xffff;
	[tilespmem:s30+$0xFFFFFFD0] =	vst v10  }
.LBB2_10:
0xf2: {  	v6 =	vld [tilespmem:s1+$0x30];
	s31 =	sadd.s32 $0x8, s31;
	[tilespmem:s30+$0xFFFFFFE0] =	vst v5  }
0xf3: {  	v5 =	vld [tilespmem:s1+$0xFFFFFFD0];
	p0 =	slt.u32 s31, $0x1F8;
	[tilespmem:s30+$0xFFFFFFF0] =	vst v3  }
0xf4: {  	v3 =	vld [tilespmem:s1+$0xFFFFFFE0];
	[tilespmem:s30+$0x0] =	vst v0  }
0xf5: {  	v0 =	vld [tilespmem:s1+$0xFFFFFFF0];
	[tilespmem:s30+$0x10] =	vst v1  }
0xf6: {  	v1 =	vld [tilespmem:s1+$0x0];
	[tilespmem:s30+$0x20] =	vst v2  }
0xf7: {  	v2 =	vld [tilespmem:s1+$0x10];
	[tilespmem:s30+$0xFFFFFFC0] =	vst v4  }
0xf8: {  	v4 =	vld [tilespmem:s1+$0x20]  }
0xf9: {  	v7 =	vld [tilespmem:s1+$0xFFFFFFC0]  }
0xfa: {  	v6 =	vld.idx.msk [tilespmem:v6+s26+$0x0], $0xffff  }
0xfb: {  	v8 =	vld.idx.msk [tilespmem:v5+s26+$0x0], $0xffff  }
0xfc: {  	v5 =	vld.idx.msk [tilespmem:v3+s26+$0x0], $0xffff  }
.Ltmp4:
0xfd: {  	v3 =	vld.idx.msk [tilespmem:v0+s26+$0x0], $0xffff;
	(pc) =	sbr.rel @p0 .LBB2_10-.Ltmp4, $4  }
0xfe: {  	v0 =	vld.idx.msk [tilespmem:v1+s26+$0x0], $0xffff  }
0xff: {  	s30 =	sadd.s32 $0x80, s30;
	v1 =	vld.idx.msk [tilespmem:v2+s26+$0x0], $0xffff  }
0x100: {  	v2 =	vld.idx.msk [tilespmem:v4+s26+$0x0], $0xffff;
	[tilespmem:s30+$0x30] =	vst v6  }
0x101: {  	s1 =	sadd.s32 $0x80, s1;
	v4 =	vld.idx.msk [tilespmem:v7+s26+$0x0], $0xffff;
	[tilespmem:s30+$0xFFFFFFD0] =	vst v8  }
0x102: {  	[tilespmem:s30+$0xFFFFFFE0] =	vst v5  }
0x103: {  	[tilespmem:s30+$0xFFFFFFF0] =	vst v3  }
0x104: {  	[tilespmem:s30+$0x0] =	vst v0  }
0x105: {  	[tilespmem:s30+$0x10] =	vst v1  }
0x106: {  	[tilespmem:s30+$0x20] =	vst v2  }
0x107: {  	[tilespmem:s30+$0xFFFFFFC0] =	vst v4  }
0x108: {  	[hbm4b:s11+s24] =	stream.strided.scatter [tilespmem:s28], [sflag:$0x1], $0x2000, s25, s24, $0x38;
	[tilespmem:$0x1E700] =	vst v63  }
0x109: {  	_ =	swait.ge [sflag:s23], $0x2000  }
0x10a: {  	[sflag:s23] =	ssyncset.done $0x0  }
0x10b: {  	s1 =	simm.s32 $0x2070;
	[sflag:s23] =	ssyncadd.s32 $0xFFFFE000  }
0x10c: {  	v0 =	vld [tilespmem:s1+$0x0]  }
0x10d: {  	v1 =	vld [tilespmem:s1+$0xFFFFFFA0]  }
0x10e: {  	v2 =	vld [tilespmem:s1+$0xFFFFFFB0]  }
0x10f: {  	v3 =	vld [tilespmem:s1+$0xFFFFFFC0]  }
0x110: {  	v4 =	vld [tilespmem:s1+$0xFFFFFFD0]  }
0x111: {  	v6 =	vld [tilespmem:s1+$0xFFFFFFE0]  }
0x112: {  	v7 =	vld [tilespmem:s1+$0xFFFFFFF0]  }
0x113: {  	v8 =	vld [tilespmem:s1+$0xFFFFFF90]  }
0x114: {  	v9 =	vld.idx.msk [tilespmem:v0+s26+$0x0], $0xffff  }
0x115: {  	v10 =	vld.idx.msk [tilespmem:v1+s26+$0x0], $0xffff  }
0x116: {  	v5 =	vld.idx.msk [tilespmem:v2+s26+$0x0], $0xffff  }
0x117: {  	v3 =	vld.idx.msk [tilespmem:v3+s26+$0x0], $0xffff  }
0x118: {  	v0 =	vld.idx.msk [tilespmem:v4+s26+$0x0], $0xffff  }
0x119: {  	s30 =	simm.s32 $0x1C740;
	v1 =	vld.idx.msk [tilespmem:v6+s26+$0x0], $0xffff  }
0x11a: {  	v2 =	vld.idx.msk [tilespmem:v7+s26+$0x0], $0xffff;
	[tilespmem:s30+$0x30] =	vst v9  }
0x11b: {  	s31 =	simm.s32 $0x0;
	s1 =	simm.s32 $0x20F0;
	v4 =	vld.idx.msk [tilespmem:v8+s26+$0x0], $0xffff;
	[tilespmem:s30+$0xFFFFFFD0] =	vst v10  }
.LBB2_12:
0x11c: {  	v6 =	vld [tilespmem:s1+$0x0];
	s31 =	sadd.s32 $0x8, s31;
	[tilespmem:s30+$0xFFFFFFE0] =	vst v5  }
0x11d: {  	v5 =	vld [tilespmem:s1+$0xFFFFFFA0];
	p0 =	slt.u32 s31, $0x1F8;
	[tilespmem:s30+$0xFFFFFFF0] =	vst v3  }
0x11e: {  	v3 =	vld [tilespmem:s1+$0xFFFFFFB0];
	[tilespmem:s30+$0x0] =	vst v0  }
0x11f: {  	v0 =	vld [tilespmem:s1+$0xFFFFFFC0];
	[tilespmem:s30+$0x10] =	vst v1  }
0x120: {  	v1 =	vld [tilespmem:s1+$0xFFFFFFD0];
	[tilespmem:s30+$0x20] =	vst v2  }
0x121: {  	v2 =	vld [tilespmem:s1+$0xFFFFFFE0];
	[tilespmem:s30+$0xFFFFFFC0] =	vst v4  }
0x122: {  	v4 =	vld [tilespmem:s1+$0xFFFFFFF0]  }
0x123: {  	v7 =	vld [tilespmem:s1+$0xFFFFFF90]  }
0x124: {  	v6 =	vld.idx.msk [tilespmem:v6+s26+$0x0], $0xffff  }
0x125: {  	v8 =	vld.idx.msk [tilespmem:v5+s26+$0x0], $0xffff  }
0x126: {  	v5 =	vld.idx.msk [tilespmem:v3+s26+$0x0], $0xffff  }
.Ltmp5:
0x127: {  	v3 =	vld.idx.msk [tilespmem:v0+s26+$0x0], $0xffff;
	(pc) =	sbr.rel @p0 .LBB2_12-.Ltmp5, $4  }
0x128: {  	v0 =	vld.idx.msk [tilespmem:v1+s26+$0x0], $0xffff  }
0x129: {  	s30 =	sadd.s32 $0x80, s30;
	v1 =	vld.idx.msk [tilespmem:v2+s26+$0x0], $0xffff  }
0x12a: {  	v2 =	vld.idx.msk [tilespmem:v4+s26+$0x0], $0xffff;
	[tilespmem:s30+$0x30] =	vst v6  }
0x12b: {  	s1 =	sadd.s32 $0x80, s1;
	v4 =	vld.idx.msk [tilespmem:v7+s26+$0x0], $0xffff;
	[tilespmem:s30+$0xFFFFFFD0] =	vst v8  }
0x12c: {  	[tilespmem:s30+$0xFFFFFFE0] =	vst v5  }
0x12d: {  	[tilespmem:s30+$0xFFFFFFF0] =	vst v3  }
0x12e: {  	[tilespmem:s30+$0x0] =	vst v0  }
0x12f: {  	[tilespmem:s30+$0x10] =	vst v1  }
0x130: {  	[tilespmem:s30+$0x20] =	vst v2  }
0x131: {  	[tilespmem:s30+$0xFFFFFFC0] =	vst v4  }
0x132: {  	[hbm4b:s12+s24] =	stream.strided.scatter [tilespmem:s28], [sflag:$0x1], $0x2000, s25, s24, $0x38;
	[tilespmem:$0x1E700] =	vst v63  }
0x133: {  	_ =	swait.ge [sflag:s23], $0x2000  }
0x134: {  	[sflag:s23] =	ssyncset.done $0x0  }
0x135: {  	[sflag:s23] =	ssyncadd.s32 $0xFFFFE000  }
0x136: {  	[tilespmem:s26], [sflag:$0x1] =	stream.strided.gather [hbm4b:s13+s24], $0x18700, s25, s24, $0x38;
	[tilespmem:$0x1E700] =	vst v63  }
0x137: {  	_ =	swait.ge [sflag:s23], $0x18700  }
0x138: {  	[sflag:s23] =	ssyncset.done $0x0  }
0x139: {  	s1 =	simm.s32 $0x40;
	[sflag:s23] =	ssyncadd.s32 $0xFFFE7900  }
0x13a: {  	v0 =	vld [tilespmem:s1+$0x30]  }
0x13b: {  	v1 =	vld [tilespmem:s1+$0xFFFFFFD0]  }
0x13c: {  	v2 =	vld [tilespmem:s1+$0xFFFFFFE0]  }
0x13d: {  	v3 =	vld [tilespmem:s1+$0xFFFFFFF0]  }
0x13e: {  	v4 =	vld [tilespmem:s1+$0x0]  }
0x13f: {  	v6 =	vld [tilespmem:s1+$0x10]  }
0x140: {  	v7 =	vld [tilespmem:s1+$0x20]  }
0x141: {  	v8 =	vld [tilespmem:s1+$0xFFFFFFC0]  }
0x142: {  	v9 =	vld.idx.msk [tilespmem:v0+s26+$0x0], $0xffff  }
0x143: {  	v10 =	vld.idx.msk [tilespmem:v1+s26+$0x0], $0xffff  }
0x144: {  	v5 =	vld.idx.msk [tilespmem:v2+s26+$0x0], $0xffff  }
0x145: {  	v3 =	vld.idx.msk [tilespmem:v3+s26+$0x0], $0xffff  }
0x146: {  	v0 =	vld.idx.msk [tilespmem:v4+s26+$0x0], $0xffff  }
0x147: {  	s30 =	simm.s32 $0x1C740;
	v1 =	vld.idx.msk [tilespmem:v6+s26+$0x0], $0xffff  }
0x148: {  	v2 =	vld.idx.msk [tilespmem:v7+s26+$0x0], $0xffff;
	[tilespmem:s30+$0x30] =	vst v9  }
0x149: {  	s31 =	simm.s32 $0x0;
	s1 =	simm.s32 $0xC0;
	v4 =	vld.idx.msk [tilespmem:v8+s26+$0x0], $0xffff;
	[tilespmem:s30+$0xFFFFFFD0] =	vst v10  }
.LBB2_14:
0x14a: {  	v6 =	vld [tilespmem:s1+$0x30];
	s31 =	sadd.s32 $0x8, s31;
	[tilespmem:s30+$0xFFFFFFE0] =	vst v5  }
0x14b: {  	v5 =	vld [tilespmem:s1+$0xFFFFFFD0];
	p0 =	slt.u32 s31, $0x1F8;
	[tilespmem:s30+$0xFFFFFFF0] =	vst v3  }
0x14c: {  	v3 =	vld [tilespmem:s1+$0xFFFFFFE0];
	[tilespmem:s30+$0x0] =	vst v0  }
0x14d: {  	v0 =	vld [tilespmem:s1+$0xFFFFFFF0];
	[tilespmem:s30+$0x10] =	vst v1  }
0x14e: {  	v1 =	vld [tilespmem:s1+$0x0];
	[tilespmem:s30+$0x20] =	vst v2  }
0x14f: {  	v2 =	vld [tilespmem:s1+$0x10];
	[tilespmem:s30+$0xFFFFFFC0] =	vst v4  }
0x150: {  	v4 =	vld [tilespmem:s1+$0x20]  }
0x151: {  	v7 =	vld [tilespmem:s1+$0xFFFFFFC0]  }
0x152: {  	v6 =	vld.idx.msk [tilespmem:v6+s26+$0x0], $0xffff  }
0x153: {  	v8 =	vld.idx.msk [tilespmem:v5+s26+$0x0], $0xffff  }
0x154: {  	v5 =	vld.idx.msk [tilespmem:v3+s26+$0x0], $0xffff  }
.Ltmp6:
0x155: {  	v3 =	vld.idx.msk [tilespmem:v0+s26+$0x0], $0xffff;
	(pc) =	sbr.rel @p0 .LBB2_14-.Ltmp6, $4  }
0x156: {  	v0 =	vld.idx.msk [tilespmem:v1+s26+$0x0], $0xffff  }
0x157: {  	s30 =	sadd.s32 $0x80, s30;
	v1 =	vld.idx.msk [tilespmem:v2+s26+$0x0], $0xffff  }
0x158: {  	v2 =	vld.idx.msk [tilespmem:v4+s26+$0x0], $0xffff;
	[tilespmem:s30+$0x30] =	vst v6  }
0x159: {  	s1 =	sadd.s32 $0x80, s1;
	v4 =	vld.idx.msk [tilespmem:v7+s26+$0x0], $0xffff;
	[tilespmem:s30+$0xFFFFFFD0] =	vst v8  }
0x15a: {  	[tilespmem:s30+$0xFFFFFFE0] =	vst v5  }
0x15b: {  	[tilespmem:s30+$0xFFFFFFF0] =	vst v3  }
0x15c: {  	[tilespmem:s30+$0x0] =	vst v0  }
0x15d: {  	[tilespmem:s30+$0x10] =	vst v1  }
0x15e: {  	[tilespmem:s30+$0x20] =	vst v2  }
0x15f: {  	[tilespmem:s30+$0xFFFFFFC0] =	vst v4  }
0x160: {  	[hbm4b:s14+s24] =	stream.strided.scatter [tilespmem:s28], [sflag:$0x1], $0x2000, s25, s24, $0x38;
	[tilespmem:$0x1E700] =	vst v63  }
0x161: {  	_ =	swait.ge [sflag:s23], $0x2000  }
0x162: {  	[sflag:s23] =	ssyncset.done $0x0  }
0x163: {  	s1 =	simm.s32 $0x2070;
	[sflag:s23] =	ssyncadd.s32 $0xFFFFE000  }
0x164: {  	v0 =	vld [tilespmem:s1+$0x0]  }
0x165: {  	v1 =	vld [tilespmem:s1+$0xFFFFFFA0]  }
0x166: {  	v2 =	vld [tilespmem:s1+$0xFFFFFFB0]  }
0x167: {  	v3 =	vld [tilespmem:s1+$0xFFFFFFC0]  }
0x168: {  	v4 =	vld [tilespmem:s1+$0xFFFFFFD0]  }
0x169: {  	v6 =	vld [tilespmem:s1+$0xFFFFFFE0]  }
0x16a: {  	v7 =	vld [tilespmem:s1+$0xFFFFFFF0]  }
0x16b: {  	v8 =	vld [tilespmem:s1+$0xFFFFFF90]  }
0x16c: {  	v9 =	vld.idx.msk [tilespmem:v0+s26+$0x0], $0xffff  }
0x16d: {  	v10 =	vld.idx.msk [tilespmem:v1+s26+$0x0], $0xffff  }
0x16e: {  	v5 =	vld.idx.msk [tilespmem:v2+s26+$0x0], $0xffff  }
0x16f: {  	v3 =	vld.idx.msk [tilespmem:v3+s26+$0x0], $0xffff  }
0x170: {  	v0 =	vld.idx.msk [tilespmem:v4+s26+$0x0], $0xffff  }
0x171: {  	s30 =	simm.s32 $0x1C740;
	v1 =	vld.idx.msk [tilespmem:v6+s26+$0x0], $0xffff  }
0x172: {  	v2 =	vld.idx.msk [tilespmem:v7+s26+$0x0], $0xffff;
	[tilespmem:s30+$0x30] =	vst v9  }
0x173: {  	s31 =	simm.s32 $0x0;
	s1 =	simm.s32 $0x20F0;
	v4 =	vld.idx.msk [tilespmem:v8+s26+$0x0], $0xffff;
	[tilespmem:s30+$0xFFFFFFD0] =	vst v10  }
.LBB2_16:
0x174: {  	v6 =	vld [tilespmem:s1+$0x0];
	s31 =	sadd.s32 $0x8, s31;
	[tilespmem:s30+$0xFFFFFFE0] =	vst v5  }
0x175: {  	v5 =	vld [tilespmem:s1+$0xFFFFFFA0];
	p0 =	slt.u32 s31, $0x1F8;
	[tilespmem:s30+$0xFFFFFFF0] =	vst v3  }
0x176: {  	v3 =	vld [tilespmem:s1+$0xFFFFFFB0];
	[tilespmem:s30+$0x0] =	vst v0  }
0x177: {  	v0 =	vld [tilespmem:s1+$0xFFFFFFC0];
	[tilespmem:s30+$0x10] =	vst v1  }
0x178: {  	v1 =	vld [tilespmem:s1+$0xFFFFFFD0];
	[tilespmem:s30+$0x20] =	vst v2  }
0x179: {  	v2 =	vld [tilespmem:s1+$0xFFFFFFE0];
	[tilespmem:s30+$0xFFFFFFC0] =	vst v4  }
0x17a: {  	v4 =	vld [tilespmem:s1+$0xFFFFFFF0]  }
0x17b: {  	v7 =	vld [tilespmem:s1+$0xFFFFFF90]  }
0x17c: {  	v6 =	vld.idx.msk [tilespmem:v6+s26+$0x0], $0xffff  }
0x17d: {  	v8 =	vld.idx.msk [tilespmem:v5+s26+$0x0], $0xffff  }
0x17e: {  	v5 =	vld.idx.msk [tilespmem:v3+s26+$0x0], $0xffff  }
.Ltmp7:
0x17f: {  	v3 =	vld.idx.msk [tilespmem:v0+s26+$0x0], $0xffff;
	(pc) =	sbr.rel @p0 .LBB2_16-.Ltmp7, $4  }
0x180: {  	v0 =	vld.idx.msk [tilespmem:v1+s26+$0x0], $0xffff  }
0x181: {  	s30 =	sadd.s32 $0x80, s30;
	v1 =	vld.idx.msk [tilespmem:v2+s26+$0x0], $0xffff  }
0x182: {  	v2 =	vld.idx.msk [tilespmem:v4+s26+$0x0], $0xffff;
	[tilespmem:s30+$0x30] =	vst v6  }
0x183: {  	s1 =	sadd.s32 $0x80, s1;
	v4 =	vld.idx.msk [tilespmem:v7+s26+$0x0], $0xffff;
	[tilespmem:s30+$0xFFFFFFD0] =	vst v8  }
0x184: {  	[tilespmem:s30+$0xFFFFFFE0] =	vst v5  }
0x185: {  	[tilespmem:s30+$0xFFFFFFF0] =	vst v3  }
0x186: {  	[tilespmem:s30+$0x0] =	vst v0  }
0x187: {  	[tilespmem:s30+$0x10] =	vst v1  }
0x188: {  	[tilespmem:s30+$0x20] =	vst v2  }
0x189: {  	[tilespmem:s30+$0xFFFFFFC0] =	vst v4  }
0x18a: {  	[hbm4b:s15+s24] =	stream.strided.scatter [tilespmem:s28], [sflag:$0x1], $0x2000, s25, s24, $0x38;
	[tilespmem:$0x1E700] =	vst v63  }
0x18b: {  	_ =	swait.ge [sflag:s23], $0x2000  }
0x18c: {  	[sflag:s23] =	ssyncset.done $0x0  }
0x18d: {  	[sflag:s23] =	ssyncadd.s32 $0xFFFFE000  }
0x18e: {  	[tilespmem:s26], [sflag:$0x1] =	stream.strided.gather [hbm4b:s16+s24], $0x18700, s25, s24, $0x38;
	[tilespmem:$0x1E700] =	vst v63  }
0x18f: {  	_ =	swait.ge [sflag:s23], $0x18700  }
0x190: {  	[sflag:s23] =	ssyncset.done $0x0  }
0x191: {  	s1 =	simm.s32 $0x40;
	[sflag:s23] =	ssyncadd.s32 $0xFFFE7900  }
0x192: {  	v0 =	vld [tilespmem:s1+$0x30]  }
0x193: {  	v1 =	vld [tilespmem:s1+$0xFFFFFFD0]  }
0x194: {  	v2 =	vld [tilespmem:s1+$0xFFFFFFE0]  }
0x195: {  	v3 =	vld [tilespmem:s1+$0xFFFFFFF0]  }
0x196: {  	v4 =	vld [tilespmem:s1+$0x0]  }
0x197: {  	v6 =	vld [tilespmem:s1+$0x10]  }
0x198: {  	v7 =	vld [tilespmem:s1+$0x20]  }
0x199: {  	v8 =	vld [tilespmem:s1+$0xFFFFFFC0]  }
0x19a: {  	v9 =	vld.idx.msk [tilespmem:v0+s26+$0x0], $0xffff  }
0x19b: {  	v10 =	vld.idx.msk [tilespmem:v1+s26+$0x0], $0xffff  }
0x19c: {  	v5 =	vld.idx.msk [tilespmem:v2+s26+$0x0], $0xffff  }
0x19d: {  	v3 =	vld.idx.msk [tilespmem:v3+s26+$0x0], $0xffff  }
0x19e: {  	v0 =	vld.idx.msk [tilespmem:v4+s26+$0x0], $0xffff  }
0x19f: {  	s30 =	simm.s32 $0x1C740;
	v1 =	vld.idx.msk [tilespmem:v6+s26+$0x0], $0xffff  }
0x1a0: {  	v2 =	vld.idx.msk [tilespmem:v7+s26+$0x0], $0xffff;
	[tilespmem:s30+$0x30] =	vst v9  }
0x1a1: {  	s31 =	simm.s32 $0x0;
	s1 =	simm.s32 $0xC0;
	v4 =	vld.idx.msk [tilespmem:v8+s26+$0x0], $0xffff;
	[tilespmem:s30+$0xFFFFFFD0] =	vst v10  }
.LBB2_18:
0x1a2: {  	v6 =	vld [tilespmem:s1+$0x30];
	s31 =	sadd.s32 $0x8, s31;
	[tilespmem:s30+$0xFFFFFFE0] =	vst v5  }
0x1a3: {  	v5 =	vld [tilespmem:s1+$0xFFFFFFD0];
	p0 =	slt.u32 s31, $0x1F8;
	[tilespmem:s30+$0xFFFFFFF0] =	vst v3  }
0x1a4: {  	v3 =	vld [tilespmem:s1+$0xFFFFFFE0];
	[tilespmem:s30+$0x0] =	vst v0  }
0x1a5: {  	v0 =	vld [tilespmem:s1+$0xFFFFFFF0];
	[tilespmem:s30+$0x10] =	vst v1  }
0x1a6: {  	v1 =	vld [tilespmem:s1+$0x0];
	[tilespmem:s30+$0x20] =	vst v2  }
0x1a7: {  	v2 =	vld [tilespmem:s1+$0x10];
	[tilespmem:s30+$0xFFFFFFC0] =	vst v4  }
0x1a8: {  	v4 =	vld [tilespmem:s1+$0x20]  }
0x1a9: {  	v7 =	vld [tilespmem:s1+$0xFFFFFFC0]  }
0x1aa: {  	v6 =	vld.idx.msk [tilespmem:v6+s26+$0x0], $0xffff  }
0x1ab: {  	v8 =	vld.idx.msk [tilespmem:v5+s26+$0x0], $0xffff  }
0x1ac: {  	v5 =	vld.idx.msk [tilespmem:v3+s26+$0x0], $0xffff  }
.Ltmp8:
0x1ad: {  	v3 =	vld.idx.msk [tilespmem:v0+s26+$0x0], $0xffff;
	(pc) =	sbr.rel @p0 .LBB2_18-.Ltmp8, $4  }
0x1ae: {  	v0 =	vld.idx.msk [tilespmem:v1+s26+$0x0], $0xffff  }
0x1af: {  	s30 =	sadd.s32 $0x80, s30;
	v1 =	vld.idx.msk [tilespmem:v2+s26+$0x0], $0xffff  }
0x1b0: {  	v2 =	vld.idx.msk [tilespmem:v4+s26+$0x0], $0xffff;
	[tilespmem:s30+$0x30] =	vst v6  }
0x1b1: {  	s1 =	sadd.s32 $0x80, s1;
	v4 =	vld.idx.msk [tilespmem:v7+s26+$0x0], $0xffff;
	[tilespmem:s30+$0xFFFFFFD0] =	vst v8  }
0x1b2: {  	[tilespmem:s30+$0xFFFFFFE0] =	vst v5  }
0x1b3: {  	[tilespmem:s30+$0xFFFFFFF0] =	vst v3  }
0x1b4: {  	[tilespmem:s30+$0x0] =	vst v0  }
0x1b5: {  	[tilespmem:s30+$0x10] =	vst v1  }
0x1b6: {  	[tilespmem:s30+$0x20] =	vst v2  }
0x1b7: {  	[tilespmem:s30+$0xFFFFFFC0] =	vst v4  }
0x1b8: {  	[hbm4b:s17+s24] =	stream.strided.scatter [tilespmem:s28], [sflag:$0x1], $0x2000, s25, s24, $0x38;
	[tilespmem:$0x1E700] =	vst v63  }
0x1b9: {  	_ =	swait.ge [sflag:s23], $0x2000  }
0x1ba: {  	[sflag:s23] =	ssyncset.done $0x0  }
0x1bb: {  	s1 =	simm.s32 $0x2070;
	[sflag:s23] =	ssyncadd.s32 $0xFFFFE000  }
0x1bc: {  	v0 =	vld [tilespmem:s1+$0x0]  }
0x1bd: {  	v1 =	vld [tilespmem:s1+$0xFFFFFFA0]  }
0x1be: {  	v2 =	vld [tilespmem:s1+$0xFFFFFFB0]  }
0x1bf: {  	v3 =	vld [tilespmem:s1+$0xFFFFFFC0]  }
0x1c0: {  	v4 =	vld [tilespmem:s1+$0xFFFFFFD0]  }
0x1c1: {  	v6 =	vld [tilespmem:s1+$0xFFFFFFE0]  }
0x1c2: {  	v7 =	vld [tilespmem:s1+$0xFFFFFFF0]  }
0x1c3: {  	v8 =	vld [tilespmem:s1+$0xFFFFFF90]  }
0x1c4: {  	v9 =	vld.idx.msk [tilespmem:v0+s26+$0x0], $0xffff  }
0x1c5: {  	v10 =	vld.idx.msk [tilespmem:v1+s26+$0x0], $0xffff  }
0x1c6: {  	v5 =	vld.idx.msk [tilespmem:v2+s26+$0x0], $0xffff  }
0x1c7: {  	v3 =	vld.idx.msk [tilespmem:v3+s26+$0x0], $0xffff  }
0x1c8: {  	v0 =	vld.idx.msk [tilespmem:v4+s26+$0x0], $0xffff  }
0x1c9: {  	s30 =	simm.s32 $0x1C740;
	v1 =	vld.idx.msk [tilespmem:v6+s26+$0x0], $0xffff  }
0x1ca: {  	v2 =	vld.idx.msk [tilespmem:v7+s26+$0x0], $0xffff;
	[tilespmem:s30+$0x30] =	vst v9  }
0x1cb: {  	s31 =	simm.s32 $0x0;
	s1 =	simm.s32 $0x20F0;
	v4 =	vld.idx.msk [tilespmem:v8+s26+$0x0], $0xffff;
	[tilespmem:s30+$0xFFFFFFD0] =	vst v10  }
.LBB2_20:
0x1cc: {  	v6 =	vld [tilespmem:s1+$0x0];
	s31 =	sadd.s32 $0x8, s31;
	[tilespmem:s30+$0xFFFFFFE0] =	vst v5  }
0x1cd: {  	v5 =	vld [tilespmem:s1+$0xFFFFFFA0];
	p0 =	slt.u32 s31, $0x1F8;
	[tilespmem:s30+$0xFFFFFFF0] =	vst v3  }
0x1ce: {  	v3 =	vld [tilespmem:s1+$0xFFFFFFB0];
	[tilespmem:s30+$0x0] =	vst v0  }
0x1cf: {  	v0 =	vld [tilespmem:s1+$0xFFFFFFC0];
	[tilespmem:s30+$0x10] =	vst v1  }
0x1d0: {  	v1 =	vld [tilespmem:s1+$0xFFFFFFD0];
	[tilespmem:s30+$0x20] =	vst v2  }
0x1d1: {  	v2 =	vld [tilespmem:s1+$0xFFFFFFE0];
	[tilespmem:s30+$0xFFFFFFC0] =	vst v4  }
0x1d2: {  	v4 =	vld [tilespmem:s1+$0xFFFFFFF0]  }
0x1d3: {  	v7 =	vld [tilespmem:s1+$0xFFFFFF90]  }
0x1d4: {  	v6 =	vld.idx.msk [tilespmem:v6+s26+$0x0], $0xffff  }
0x1d5: {  	v8 =	vld.idx.msk [tilespmem:v5+s26+$0x0], $0xffff  }
0x1d6: {  	v5 =	vld.idx.msk [tilespmem:v3+s26+$0x0], $0xffff  }
.Ltmp9:
0x1d7: {  	v3 =	vld.idx.msk [tilespmem:v0+s26+$0x0], $0xffff;
	(pc) =	sbr.rel @p0 .LBB2_20-.Ltmp9, $4  }
0x1d8: {  	v0 =	vld.idx.msk [tilespmem:v1+s26+$0x0], $0xffff  }
0x1d9: {  	s30 =	sadd.s32 $0x80, s30;
	v1 =	vld.idx.msk [tilespmem:v2+s26+$0x0], $0xffff  }
0x1da: {  	v2 =	vld.idx.msk [tilespmem:v4+s26+$0x0], $0xffff;
	[tilespmem:s30+$0x30] =	vst v6  }
0x1db: {  	s1 =	sadd.s32 $0x80, s1;
	v4 =	vld.idx.msk [tilespmem:v7+s26+$0x0], $0xffff;
	[tilespmem:s30+$0xFFFFFFD0] =	vst v8  }
0x1dc: {  	[tilespmem:s30+$0xFFFFFFE0] =	vst v5  }
0x1dd: {  	[tilespmem:s30+$0xFFFFFFF0] =	vst v3  }
0x1de: {  	[tilespmem:s30+$0x0] =	vst v0  }
0x1df: {  	[tilespmem:s30+$0x10] =	vst v1  }
0x1e0: {  	[tilespmem:s30+$0x20] =	vst v2  }
0x1e1: {  	[tilespmem:s30+$0xFFFFFFC0] =	vst v4  }
0x1e2: {  	[hbm4b:s18+s24] =	stream.strided.scatter [tilespmem:s28], [sflag:$0x1], $0x2000, s25, s24, $0x38;
	[tilespmem:$0x1E700] =	vst v63  }
0x1e3: {  	_ =	swait.ge [sflag:s23], $0x2000  }
0x1e4: {  	[sflag:s23] =	ssyncset.done $0x0  }
0x1e5: {  	[sflag:s23] =	ssyncadd.s32 $0xFFFFE000  }
0x1e6: {  	[tilespmem:s26], [sflag:$0x1] =	stream.strided.gather [hbm4b:s19+s24], $0x18700, s25, s24, $0x38;
	[tilespmem:$0x1E700] =	vst v63  }
0x1e7: {  	_ =	swait.ge [sflag:s23], $0x18700  }
0x1e8: {  	[sflag:s23] =	ssyncset.done $0x0  }
0x1e9: {  	s1 =	simm.s32 $0x40;
	[sflag:s23] =	ssyncadd.s32 $0xFFFE7900  }
0x1ea: {  	v0 =	vld [tilespmem:s1+$0x30]  }
0x1eb: {  	v1 =	vld [tilespmem:s1+$0xFFFFFFD0]  }
0x1ec: {  	v2 =	vld [tilespmem:s1+$0xFFFFFFE0]  }
0x1ed: {  	v3 =	vld [tilespmem:s1+$0xFFFFFFF0]  }
0x1ee: {  	v4 =	vld [tilespmem:s1+$0x0]  }
0x1ef: {  	v6 =	vld [tilespmem:s1+$0x10]  }
0x1f0: {  	v7 =	vld [tilespmem:s1+$0x20]  }
0x1f1: {  	v8 =	vld [tilespmem:s1+$0xFFFFFFC0]  }
0x1f2: {  	v9 =	vld.idx.msk [tilespmem:v0+s26+$0x0], $0xffff  }
0x1f3: {  	v10 =	vld.idx.msk [tilespmem:v1+s26+$0x0], $0xffff  }
0x1f4: {  	v5 =	vld.idx.msk [tilespmem:v2+s26+$0x0], $0xffff  }
0x1f5: {  	v3 =	vld.idx.msk [tilespmem:v3+s26+$0x0], $0xffff  }
0x1f6: {  	v0 =	vld.idx.msk [tilespmem:v4+s26+$0x0], $0xffff  }
0x1f7: {  	s30 =	simm.s32 $0x1C740;
	v1 =	vld.idx.msk [tilespmem:v6+s26+$0x0], $0xffff  }
0x1f8: {  	v2 =	vld.idx.msk [tilespmem:v7+s26+$0x0], $0xffff;
	[tilespmem:s30+$0x30] =	vst v9  }
0x1f9: {  	s31 =	simm.s32 $0x0;
	s1 =	simm.s32 $0xC0;
	v4 =	vld.idx.msk [tilespmem:v8+s26+$0x0], $0xffff;
	[tilespmem:s30+$0xFFFFFFD0] =	vst v10  }
.LBB2_22:
0x1fa: {  	v6 =	vld [tilespmem:s1+$0x30];
	s31 =	sadd.s32 $0x8, s31;
	[tilespmem:s30+$0xFFFFFFE0] =	vst v5  }
0x1fb: {  	v5 =	vld [tilespmem:s1+$0xFFFFFFD0];
	p0 =	slt.u32 s31, $0x1F8;
	[tilespmem:s30+$0xFFFFFFF0] =	vst v3  }
0x1fc: {  	v3 =	vld [tilespmem:s1+$0xFFFFFFE0];
	[tilespmem:s30+$0x0] =	vst v0  }
0x1fd: {  	v0 =	vld [tilespmem:s1+$0xFFFFFFF0];
	[tilespmem:s30+$0x10] =	vst v1  }
0x1fe: {  	v1 =	vld [tilespmem:s1+$0x0];
	[tilespmem:s30+$0x20] =	vst v2  }
0x1ff: {  	v2 =	vld [tilespmem:s1+$0x10];
	[tilespmem:s30+$0xFFFFFFC0] =	vst v4  }
0x200: {  	v4 =	vld [tilespmem:s1+$0x20]  }
0x201: {  	v7 =	vld [tilespmem:s1+$0xFFFFFFC0]  }
0x202: {  	v6 =	vld.idx.msk [tilespmem:v6+s26+$0x0], $0xffff  }
0x203: {  	v8 =	vld.idx.msk [tilespmem:v5+s26+$0x0], $0xffff  }
0x204: {  	v5 =	vld.idx.msk [tilespmem:v3+s26+$0x0], $0xffff  }
.Ltmp10:
0x205: {  	v3 =	vld.idx.msk [tilespmem:v0+s26+$0x0], $0xffff;
	(pc) =	sbr.rel @p0 .LBB2_22-.Ltmp10, $4  }
0x206: {  	v0 =	vld.idx.msk [tilespmem:v1+s26+$0x0], $0xffff  }
0x207: {  	s30 =	sadd.s32 $0x80, s30;
	v1 =	vld.idx.msk [tilespmem:v2+s26+$0x0], $0xffff  }
0x208: {  	v2 =	vld.idx.msk [tilespmem:v4+s26+$0x0], $0xffff;
	[tilespmem:s30+$0x30] =	vst v6  }
0x209: {  	s1 =	sadd.s32 $0x80, s1;
	v4 =	vld.idx.msk [tilespmem:v7+s26+$0x0], $0xffff;
	[tilespmem:s30+$0xFFFFFFD0] =	vst v8  }
0x20a: {  	[tilespmem:s30+$0xFFFFFFE0] =	vst v5  }
0x20b: {  	[tilespmem:s30+$0xFFFFFFF0] =	vst v3  }
0x20c: {  	[tilespmem:s30+$0x0] =	vst v0  }
0x20d: {  	[tilespmem:s30+$0x10] =	vst v1  }
0x20e: {  	[tilespmem:s30+$0x20] =	vst v2  }
0x20f: {  	[tilespmem:s30+$0xFFFFFFC0] =	vst v4  }
0x210: {  	[hbm4b:s20+s24] =	stream.strided.scatter [tilespmem:s28], [sflag:$0x1], $0x2000, s25, s24, $0x38;
	[tilespmem:$0x1E700] =	vst v63  }
0x211: {  	_ =	swait.ge [sflag:s23], $0x2000  }
0x212: {  	[sflag:s23] =	ssyncset.done $0x0  }
0x213: {  	s1 =	simm.s32 $0x2070;
	[sflag:s23] =	ssyncadd.s32 $0xFFFFE000  }
0x214: {  	v0 =	vld [tilespmem:s1+$0x0]  }
0x215: {  	v1 =	vld [tilespmem:s1+$0xFFFFFFA0]  }
0x216: {  	v2 =	vld [tilespmem:s1+$0xFFFFFFB0]  }
0x217: {  	v3 =	vld [tilespmem:s1+$0xFFFFFFC0]  }
0x218: {  	v4 =	vld [tilespmem:s1+$0xFFFFFFD0]  }
0x219: {  	v6 =	vld [tilespmem:s1+$0xFFFFFFE0]  }
0x21a: {  	v7 =	vld [tilespmem:s1+$0xFFFFFFF0]  }
0x21b: {  	v8 =	vld [tilespmem:s1+$0xFFFFFF90]  }
0x21c: {  	v9 =	vld.idx.msk [tilespmem:v0+s26+$0x0], $0xffff  }
0x21d: {  	v10 =	vld.idx.msk [tilespmem:v1+s26+$0x0], $0xffff  }
0x21e: {  	v5 =	vld.idx.msk [tilespmem:v2+s26+$0x0], $0xffff  }
0x21f: {  	v3 =	vld.idx.msk [tilespmem:v3+s26+$0x0], $0xffff  }
0x220: {  	v0 =	vld.idx.msk [tilespmem:v4+s26+$0x0], $0xffff  }
0x221: {  	s30 =	simm.s32 $0x1C740;
	v1 =	vld.idx.msk [tilespmem:v6+s26+$0x0], $0xffff  }
0x222: {  	v2 =	vld.idx.msk [tilespmem:v7+s26+$0x0], $0xffff;
	[tilespmem:s30+$0x30] =	vst v9  }
0x223: {  	s31 =	simm.s32 $0x0;
	s1 =	simm.s32 $0x20F0;
	v4 =	vld.idx.msk [tilespmem:v8+s26+$0x0], $0xffff;
	[tilespmem:s30+$0xFFFFFFD0] =	vst v10  }
.LBB2_24:
0x224: {  	v6 =	vld [tilespmem:s1+$0x0];
	s31 =	sadd.s32 $0x8, s31;
	[tilespmem:s30+$0xFFFFFFE0] =	vst v5  }
0x225: {  	v5 =	vld [tilespmem:s1+$0xFFFFFFA0];
	p0 =	slt.u32 s31, $0x1F8;
	[tilespmem:s30+$0xFFFFFFF0] =	vst v3  }
0x226: {  	v3 =	vld [tilespmem:s1+$0xFFFFFFB0];
	[tilespmem:s30+$0x0] =	vst v0  }
0x227: {  	v0 =	vld [tilespmem:s1+$0xFFFFFFC0];
	[tilespmem:s30+$0x10] =	vst v1  }
0x228: {  	v1 =	vld [tilespmem:s1+$0xFFFFFFD0];
	[tilespmem:s30+$0x20] =	vst v2  }
0x229: {  	v2 =	vld [tilespmem:s1+$0xFFFFFFE0];
	[tilespmem:s30+$0xFFFFFFC0] =	vst v4  }
0x22a: {  	v4 =	vld [tilespmem:s1+$0xFFFFFFF0]  }
0x22b: {  	v7 =	vld [tilespmem:s1+$0xFFFFFF90]  }
0x22c: {  	v6 =	vld.idx.msk [tilespmem:v6+s26+$0x0], $0xffff  }
0x22d: {  	v8 =	vld.idx.msk [tilespmem:v5+s26+$0x0], $0xffff  }
0x22e: {  	v5 =	vld.idx.msk [tilespmem:v3+s26+$0x0], $0xffff  }
.Ltmp11:
0x22f: {  	v3 =	vld.idx.msk [tilespmem:v0+s26+$0x0], $0xffff;
	(pc) =	sbr.rel @p0 .LBB2_24-.Ltmp11, $4  }
0x230: {  	v0 =	vld.idx.msk [tilespmem:v1+s26+$0x0], $0xffff  }
0x231: {  	s30 =	sadd.s32 $0x80, s30;
	v1 =	vld.idx.msk [tilespmem:v2+s26+$0x0], $0xffff  }
0x232: {  	v2 =	vld.idx.msk [tilespmem:v4+s26+$0x0], $0xffff;
	[tilespmem:s30+$0x30] =	vst v6  }
0x233: {  	s1 =	sadd.s32 $0x80, s1;
	v4 =	vld.idx.msk [tilespmem:v7+s26+$0x0], $0xffff;
	[tilespmem:s30+$0xFFFFFFD0] =	vst v8  }
0x234: {  	[tilespmem:s30+$0xFFFFFFE0] =	vst v5  }
0x235: {  	[tilespmem:s30+$0xFFFFFFF0] =	vst v3  }
0x236: {  	[tilespmem:s30+$0x0] =	vst v0  }
0x237: {  	s29 =	sadd.s32 $0x1, s29;
	[tilespmem:s30+$0x10] =	vst v1  }
0x238: {  	p0 =	sne.s32 s29, s22;
	[tilespmem:s30+$0x20] =	vst v2  }
.Ltmp12:
0x239: {  	[tilespmem:s30+$0xFFFFFFC0] =	vst v4;
	(pc) =	sbr.rel @p0 .LBB2_1-.Ltmp12, $4  }
0x23a: {  	[hbm4b:s21+s24] =	stream.strided.scatter [tilespmem:s28], [sflag:$0x1], $0x2000, s25, s24, $0x38;
	[tilespmem:$0x1E700] =	vst v63  }
0x23b: {  	_ =	swait.ge [sflag:s23], $0x2000  }
0x23c: {  	[sflag:s23] =	ssyncset.done $0x0  }
0x23d: {  	[sflag:s23] =	ssyncadd.s32 $0xFFFFE000  }
0x23e: {  	_ =	sfence.sel $0x180000  }
0x23f: {  	[bflag:$0x0] =	sbarrier.arrive $0xFFFF  }
0x240: {  	_ =	strace $0x90000047  }
0x241: {  	[bflag:$0x2] =	sbarrier.arrive $0xFFFF  }
0x242: {  	p0 =	sne.s32 s0, $0x0;
	s0 =	rddreg [dreg:$0x3]  }
0x243: {  	s0 =	sadd.s32 @!p0 $0x100000, s0  }
0x244: {  	[sflag:s0] =	ssyncadd.tile.s32 @!p0 $0x1;
	_ =	shalt  }
.Lfunc_end2:
_tile_overlayer_lowered:
.L_overlay_start_2:
0x245: {  	(tag) =	ssettag $0x2  }
0x246: {  	s0 =	rddreg [dreg:$0x0];
	s2 =	stileid.u32  }
0x247: {  	s1 =	rddreg [dreg:$0x1];
	p0 =	sne.s32 s2, $0x0  }
0x248: {  	s3 =	rddreg [dreg:$0x2];
	[bflag:$0x3] =	sbarrier.arrive $0xFFFF;
	s2 =	simm.s32 @!p0 $0x1C01  }
0x249: {  	[timem:s3], [sflag:s2] =	dma.local @!p0 [hbm:s0], s1  }
0x24a: {  	s0 =	simm.s32 @!p0 $0x1  }
0x24b: {  	_ =	swait.ge @!p0 [sflag:s0], s1  }
0x24c: {  	s1 =	ssub.s32 @!p0 $0x0, s1;
	[sflag:s0] =	ssyncset.done @!p0 $0x0  }
0x24d: {  	[sflag:s0] =	ssyncadd.s32 @!p0 s1  }
0x24e: {  	[bflag:$0x3] =	sbarrier.arrive $0xFFFF  }
0x24f: {  	_ =	shalt  }

</sc_bundles>
